<compile_context>
chip_gen: v7x
topology: tpu7x:2x2x1
jax: 0.10.2.dev20260603
libtpu: 0.0.44.dev20260713+nightly
codegen_flags: <defaults>
</compile_context>

<pallas_src>
import functools

import jax
import jax.numpy as jnp
from jax.experimental import pallas as pl
from jax.experimental.pallas import tpu as pltpu
from jax.experimental.pallas import tpu_sc as plsc

_NUM_EXPERTS = 8
_TOP_K = 2
_BLOCK_T = 2048
_NW = 32
_LANES = 16


def _logits_kernel(x_ref, w_ref, lt_ref):
    logits = jnp.dot(x_ref[...], w_ref[...],
                     preferred_element_type=jnp.float32)
    lt_ref[...] = logits.T


def _sc_route_body(lt_hbm, wt_hbm, it_hbm, ps_hbm, fs_hbm,
                   ltc, wloc, iloc, sfp, sff, *, chunk, ngroups):
    c = jax.lax.axis_index("c")
    s = jax.lax.axis_index("s")
    wid = s * 2 + c
    base = wid * chunk
    pltpu.sync_copy(lt_hbm.at[:, pl.ds(base, chunk)], ltc)

    zeros = jnp.zeros((_LANES,), jnp.float32)
    one = jnp.ones((_LANES,), jnp.float32)

    def group(g, carry):
        pacc = carry[:8]
        facc = carry[8:]
        sl = pl.ds(g * _LANES, _LANES)
        l = [ltc[e, sl] for e in range(8)]
        m1 = l[0]
        i1 = jnp.zeros((_LANES,), jnp.int32)
        m2 = jnp.full((_LANES,), -jnp.inf, jnp.float32)
        i2 = jnp.zeros((_LANES,), jnp.int32)
        for e in range(1, 8):
            ev = jnp.full((_LANES,), e, jnp.int32)
            gt1 = l[e] > m1
            gt2 = l[e] > m2
            sa = jnp.where(gt2, l[e], m2)
            sb = jnp.where(gt2, ev, i2)
            m2 = jnp.where(gt1, m1, sa)
            i2 = jnp.where(gt1, i1, sb)
            m1 = jnp.where(gt1, l[e], m1)
            i1 = jnp.where(gt1, ev, i1)
        e21 = jnp.exp(m2 - m1)
        w1 = 1.0 / (1.0 + e21)
        wloc[0, sl] = w1
        wloc[1, sl] = 1.0 - w1
        iloc[0, sl] = i1
        iloc[1, sl] = i2
        z = [jnp.exp(l[e] - m1) for e in range(8)]
        ssum = z[0]
        for e in range(1, 8):
            ssum = ssum + z[e]
        inv = 1.0 / ssum
        pacc = tuple(pacc[e] + z[e] * inv for e in range(8))
        facc = tuple(
            facc[e] + jnp.where(i1 == jnp.full((_LANES,), e, jnp.int32),
                                one, zeros)
            for e in range(8))
        return pacc + facc

    init = tuple(zeros for _ in range(16))
    res = jax.lax.fori_loop(0, ngroups, group, init)
    for e in range(8):
        sfp[e, :] = res[e]
        sff[e, :] = res[8 + e]
    pltpu.sync_copy(wloc, wt_hbm.at[:, pl.ds(base, chunk)])
    pltpu.sync_copy(iloc, it_hbm.at[:, pl.ds(base, chunk)])
    pltpu.sync_copy(sfp, ps_hbm.at[wid])
    pltpu.sync_copy(sff, fs_hbm.at[wid])


def _aux_kernel(ps_ref, fs_ref, aux_ref, *, n_tokens):
    pe = jnp.sum(ps_ref[...], axis=(0, 2))
    fe = jnp.sum(fs_ref[...], axis=(0, 2))
    scale = 1.0 / (n_tokens * n_tokens)
    aux_ref[0, 0] = _NUM_EXPERTS * scale * jnp.sum(pe * fe)


def kernel(x, W):
    B, S, D = x.shape
    E = W.shape[1]
    n = B * S
    x2 = x.reshape(n, D)
    num_blocks = n // _BLOCK_T
    chunk = n // _NW
    ngroups = chunk // _LANES

    lt = pl.pallas_call(
        _logits_kernel,
        grid=(num_blocks,),
        in_specs=[
            pl.BlockSpec((_BLOCK_T, D), lambda i: (i, 0)),
            pl.BlockSpec((D, E), lambda i: (0, 0)),
        ],
        out_specs=pl.BlockSpec((E, _BLOCK_T), lambda i: (0, i)),
        out_shape=jax.ShapeDtypeStruct((E, n), jnp.float32),
    )(x2, W)

    mesh = plsc.VectorSubcoreMesh(core_axis_name="c", subcore_axis_name="s")
    wt, it, ps, fs = pl.kernel(
        functools.partial(_sc_route_body, chunk=chunk, ngroups=ngroups),
        out_type=[
            jax.ShapeDtypeStruct((_TOP_K, n), jnp.float32),
            jax.ShapeDtypeStruct((_TOP_K, n), jnp.int32),
            jax.ShapeDtypeStruct((_NW, E, _LANES), jnp.float32),
            jax.ShapeDtypeStruct((_NW, E, _LANES), jnp.float32),
        ],
        mesh=mesh,
        scratch_types=[
            pltpu.VMEM((E, chunk), jnp.float32),
            pltpu.VMEM((_TOP_K, chunk), jnp.float32),
            pltpu.VMEM((_TOP_K, chunk), jnp.int32),
            pltpu.VMEM((E, _LANES), jnp.float32),
            pltpu.VMEM((E, _LANES), jnp.float32),
        ],
    )(lt)

    aux = pl.pallas_call(
        functools.partial(_aux_kernel, n_tokens=n),
        in_specs=[
            pl.BlockSpec((_NW, E, _LANES), lambda: (0, 0, 0)),
            pl.BlockSpec((_NW, E, _LANES), lambda: (0, 0, 0)),
        ],
        out_specs=pl.BlockSpec(memory_space=pltpu.SMEM),
        out_shape=jax.ShapeDtypeStruct((1, 1), jnp.float32),
    )(ps, fs)

    return (wt.T.reshape(B, S, _TOP_K),
            it.T.reshape(B, S, _TOP_K).astype(jnp.int64),
            aux[0, 0])

# --- scband reference (transcript-rebuilt; emitter-appended) ---
"""Pipeline reference for scband-sparse-router-1915555414025 (READ-ONLY COPY).

The authoritative reference and input builder live on the scoring server;
editing this copy changes nothing except your own understanding.
"""

import jax, jax.numpy as jnp
import numpy as np

NUM_EXPERTS = 8
TOP_K = 2
D_MODEL = 768
BATCH = 4
SEQ = 8192


def setup_inputs(seed: int = 0) -> dict:
    key = jax.random.key(seed)
    k1, k2 = jax.random.split(key)
    x = jax.random.normal(k1, (BATCH, SEQ, D_MODEL), dtype=jnp.float32)
    # nn.Linear(d_model, num_experts, bias=False): torch weight is [E, D]; store transposed [D, E]
    W = jax.random.normal(k2, (D_MODEL, NUM_EXPERTS), dtype=jnp.float32) * (1.0 / np.sqrt(D_MODEL))
    return {"x": x, "W": W}


def reference(x, W):
    num_experts = W.shape[1]
    logits = x @ W  # [B, S, E]
    topk_logits, topk_idx = jax.lax.top_k(logits, TOP_K)  # [B, S, K]
    weights = jax.nn.softmax(topk_logits, axis=-1)
    # torch.no_grad() block -> stop_gradient
    f_i = jax.lax.stop_gradient(
        jnp.mean(jax.nn.one_hot(topk_idx[..., 0], num_experts, dtype=jnp.float32), axis=(0, 1))
    )  # [E]
    p_i = jnp.mean(jax.nn.softmax(logits, axis=-1), axis=(0, 1))  # [E]
    aux_loss = num_experts * jnp.sum(f_i * p_i)
    return (weights, topk_idx.astype(jnp.int64), aux_loss)

if __name__ == "__main__":
    import jax
    _d = setup_inputs()
    print(jax.jit(kernel)(*tuple(_d.values())))

</pallas_src>

<mosaic_0001>
#map = affine_map<(d0, d1) -> (0, 0)>
#map1 = affine_map<(d0, d1) -> (0, 0, 0)>
module attributes {stable_mosaic.version = 14 : i64} {
  func.func @_sc_route_body(%arg0: i32, %arg1: i32, %arg2: memref<8x32768xf32, #tpu.memory_space<hbm>>, %arg3: memref<2x32768xf32, #tpu.memory_space<hbm>>, %arg4: memref<2x32768xi32, #tpu.memory_space<hbm>>, %arg5: memref<32x8x16xf32, #tpu.memory_space<hbm>>, %arg6: memref<32x8x16xf32, #tpu.memory_space<hbm>>, %arg7: memref<8x1024xf32, #tpu.memory_space<vmem>>, %arg8: memref<2x1024xf32, #tpu.memory_space<vmem>>, %arg9: memref<2x1024xi32, #tpu.memory_space<vmem>>, %arg10: memref<8x16xf32, #tpu.memory_space<vmem>>, %arg11: memref<8x16xf32, #tpu.memory_space<vmem>>) attributes {dimension_semantics = [#tpu.dimension_semantics<core_parallel>, #tpu.dimension_semantics<subcore_parallel>], iteration_bounds = array<i64: 2, 16>, scalar_prefetch = 0 : i64, scratch_operands = 5 : i64, tpu.core_type = #tpu.core_type<sc_vector_subcore>, window_params = [{transform_indices = #map}, {transform_indices = #map}, {transform_indices = #map}, {transform_indices = #map1}, {transform_indices = #map1}]} {
    %mul3A = arith.constant 2 : i32
    %mul3A_0 = arith.muli %arg1, %mul3A : i32
    %add3A = arith.addi %mul3A_0, %arg0 : i32
    %mul3A_1 = arith.constant 1024 : i32
    %mul3A_2 = arith.muli %add3A, %mul3A_1 : i32
    "tpu.region"() ({
      %run_scoped3A = tpu.sem_alloc : memref<!tpu.dma_semaphore, #tpu.memory_space<semaphore_mem>>
      %dma_start3A = arith.constant 0 : i32
      %dma_start3A_106 = tpu.memref_slice %arg2[%dma_start3A, %mul3A_2] : memref<8x32768xf32, #tpu.memory_space<hbm>> -> memref<8x1024xf32, #tpu.memory_space<hbm>>
      %dma_start3A_107 = arith.constant 0 : i32
      %dma_start3A_108 = tpu.memref_slice %arg2[%dma_start3A_107, %mul3A_2] : memref<8x32768xf32, #tpu.memory_space<hbm>> -> memref<8x1024xf32, #tpu.memory_space<hbm>>
      tpu.enqueue_dma source(%dma_start3A_108 : memref<8x1024xf32, #tpu.memory_space<hbm>>) target(%arg7 : memref<8x1024xf32, #tpu.memory_space<vmem>>) target_semaphore(%run_scoped3A : memref<!tpu.dma_semaphore, #tpu.memory_space<semaphore_mem>>)
      %dma_wait3A = arith.constant 0 : i32
      %dma_wait3A_109 = tpu.memref_slice %arg2[%dma_wait3A, %mul3A_2] : memref<8x32768xf32, #tpu.memory_space<hbm>> -> memref<8x1024xf32, #tpu.memory_space<hbm>>
      %dma_wait3A_110 = arith.constant 0 : i32
      %dma_wait3A_111 = tpu.memref_slice %arg2[%dma_wait3A_110, %mul3A_2] : memref<8x32768xf32, #tpu.memory_space<hbm>> -> memref<8x1024xf32, #tpu.memory_space<hbm>>
      tpu.wait_dma2 semaphore(%run_scoped3A : memref<!tpu.dma_semaphore, #tpu.memory_space<semaphore_mem>>) src(%dma_wait3A_111 : memref<8x1024xf32, #tpu.memory_space<hbm>>) dst(%arg7 : memref<8x1024xf32, #tpu.memory_space<vmem>>)
      tpu.yield
    }) : () -> ()
    %broadcast_in_dim3A = arith.constant 0.000000e+00 : f32
    %broadcast_in_dim3A_3 = vector.broadcast %broadcast_in_dim3A : f32 to vector<16xf32>
    %broadcast_in_dim3A_4 = arith.constant 1.000000e+00 : f32
    %broadcast_in_dim3A_5 = vector.broadcast %broadcast_in_dim3A_4 : f32 to vector<16xf32>
    %scan3A = arith.constant 0 : i32
    %scan3A_6 = arith.constant 64 : i32
    %scan3A_7 = arith.addi %scan3A, %scan3A_6 : i32
    %scan3A_8 = arith.constant 1 : i32
    %scan3A_9:16 = scf.for %scan3A_106 = %scan3A to %scan3A_7 step %scan3A_8 iter_args(%scan3A_107 = %broadcast_in_dim3A_3, %scan3A_108 = %broadcast_in_dim3A_3, %scan3A_109 = %broadcast_in_dim3A_3, %scan3A_110 = %broadcast_in_dim3A_3, %scan3A_111 = %broadcast_in_dim3A_3, %scan3A_112 = %broadcast_in_dim3A_3, %scan3A_113 = %broadcast_in_dim3A_3, %scan3A_114 = %broadcast_in_dim3A_3, %scan3A_115 = %broadcast_in_dim3A_3, %scan3A_116 = %broadcast_in_dim3A_3, %scan3A_117 = %broadcast_in_dim3A_3, %scan3A_118 = %broadcast_in_dim3A_3, %scan3A_119 = %broadcast_in_dim3A_3, %scan3A_120 = %broadcast_in_dim3A_3, %scan3A_121 = %broadcast_in_dim3A_3, %scan3A_122 = %broadcast_in_dim3A_3) -> (vector<16xf32>, vector<16xf32>, vector<16xf32>, vector<16xf32>, vector<16xf32>, vector<16xf32>, vector<16xf32>, vector<16xf32>, vector<16xf32>, vector<16xf32>, vector<16xf32>, vector<16xf32>, vector<16xf32>, vector<16xf32>, vector<16xf32>, vector<16xf32>)  : i32 {
      %mul3A_123 = arith.constant 16 : i32
      %mul3A_124 = arith.muli %scan3A_106, %mul3A_123 : i32
      %get3A = arith.constant 0 : i32
      %get3A_125 = arith.index_cast %get3A : i32 to index
      %get3A_126 = arith.index_cast %mul3A_124 : i32 to index
      %get3A_127 = tpu.vector_load %arg7[%get3A_125, %get3A_126] {strides = array<i32>} : memref<8x1024xf32, #tpu.memory_space<vmem>>, vector<1x16xf32>,
      %get3A_128 = vector.shape_cast %get3A_127 : vector<1x16xf32> to vector<16xf32>
      %get3A_129 = arith.constant 1 : i32
      %get3A_130 = arith.index_cast %get3A_129 : i32 to index
      %get3A_131 = arith.index_cast %mul3A_124 : i32 to index
      %get3A_132 = tpu.vector_load %arg7[%get3A_130, %get3A_131] {strides = array<i32>} : memref<8x1024xf32, #tpu.memory_space<vmem>>, vector<1x16xf32>,
      %get3A_133 = vector.shape_cast %get3A_132 : vector<1x16xf32> to vector<16xf32>
      %get3A_134 = arith.constant 2 : i32
      %get3A_135 = arith.index_cast %get3A_134 : i32 to index
      %get3A_136 = arith.index_cast %mul3A_124 : i32 to index
      %get3A_137 = tpu.vector_load %arg7[%get3A_135, %get3A_136] {strides = array<i32>} : memref<8x1024xf32, #tpu.memory_space<vmem>>, vector<1x16xf32>,
      %get3A_138 = vector.shape_cast %get3A_137 : vector<1x16xf32> to vector<16xf32>
      %get3A_139 = arith.constant 3 : i32
      %get3A_140 = arith.index_cast %get3A_139 : i32 to index
      %get3A_141 = arith.index_cast %mul3A_124 : i32 to index
      %get3A_142 = tpu.vector_load %arg7[%get3A_140, %get3A_141] {strides = array<i32>} : memref<8x1024xf32, #tpu.memory_space<vmem>>, vector<1x16xf32>,
      %get3A_143 = vector.shape_cast %get3A_142 : vector<1x16xf32> to vector<16xf32>
      %get3A_144 = arith.constant 4 : i32
      %get3A_145 = arith.index_cast %get3A_144 : i32 to index
      %get3A_146 = arith.index_cast %mul3A_124 : i32 to index
      %get3A_147 = tpu.vector_load %arg7[%get3A_145, %get3A_146] {strides = array<i32>} : memref<8x1024xf32, #tpu.memory_space<vmem>>, vector<1x16xf32>,
      %get3A_148 = vector.shape_cast %get3A_147 : vector<1x16xf32> to vector<16xf32>
      %get3A_149 = arith.constant 5 : i32
      %get3A_150 = arith.index_cast %get3A_149 : i32 to index
      %get3A_151 = arith.index_cast %mul3A_124 : i32 to index
      %get3A_152 = tpu.vector_load %arg7[%get3A_150, %get3A_151] {strides = array<i32>} : memref<8x1024xf32, #tpu.memory_space<vmem>>, vector<1x16xf32>,
      %get3A_153 = vector.shape_cast %get3A_152 : vector<1x16xf32> to vector<16xf32>
      %get3A_154 = arith.constant 6 : i32
      %get3A_155 = arith.index_cast %get3A_154 : i32 to index
      %get3A_156 = arith.index_cast %mul3A_124 : i32 to index
      %get3A_157 = tpu.vector_load %arg7[%get3A_155, %get3A_156] {strides = array<i32>} : memref<8x1024xf32, #tpu.memory_space<vmem>>, vector<1x16xf32>,
      %get3A_158 = vector.shape_cast %get3A_157 : vector<1x16xf32> to vector<16xf32>
      %get3A_159 = arith.constant 7 : i32
      %get3A_160 = arith.index_cast %get3A_159 : i32 to index
      %get3A_161 = arith.index_cast %mul3A_124 : i32 to index
      %get3A_162 = tpu.vector_load %arg7[%get3A_160, %get3A_161] {strides = array<i32>} : memref<8x1024xf32, #tpu.memory_space<vmem>>, vector<1x16xf32>,
      %get3A_163 = vector.shape_cast %get3A_162 : vector<1x16xf32> to vector<16xf32>
      %broadcast_in_dim3A_164 = arith.constant 0 : i32
      %broadcast_in_dim3A_165 = vector.broadcast %broadcast_in_dim3A_164 : i32 to vector<16xi32>
      %broadcast_in_dim3A_166 = arith.constant 0xFF800000 : f32
      %broadcast_in_dim3A_167 = vector.broadcast %broadcast_in_dim3A_166 : f32 to vector<16xf32>
      %broadcast_in_dim3A_168 = arith.constant 0 : i32
      %broadcast_in_dim3A_169 = vector.broadcast %broadcast_in_dim3A_168 : i32 to vector<16xi32>
      %broadcast_in_dim3A_170 = arith.constant 1 : i32
      %broadcast_in_dim3A_171 = vector.broadcast %broadcast_in_dim3A_170 : i32 to vector<16xi32>
      %gt3A = arith.cmpf ogt, %get3A_133, %get3A_128 : vector<16xf32>
      %gt3A_172 = arith.cmpf ogt, %get3A_133, %broadcast_in_dim3A_167 : vector<16xf32>
      %select_n3A = arith.select %gt3A_172, %get3A_133, %broadcast_in_dim3A_167 : vector<16xi1>, vector<16xf32>
      %select_n3A_173 = arith.select %gt3A_172, %broadcast_in_dim3A_171, %broadcast_in_dim3A_169 : vector<16xi1>, vector<16xi32>
      %select_n3A_174 = arith.select %gt3A, %get3A_128, %select_n3A : vector<16xi1>, vector<16xf32>
      %select_n3A_175 = arith.select %gt3A, %broadcast_in_dim3A_165, %select_n3A_173 : vector<16xi1>, vector<16xi32>
      %select_n3A_176 = arith.select %gt3A, %get3A_133, %get3A_128 : vector<16xi1>, vector<16xf32>
      %select_n3A_177 = arith.select %gt3A, %broadcast_in_dim3A_171, %broadcast_in_dim3A_165 : vector<16xi1>, vector<16xi32>
      %broadcast_in_dim3A_178 = arith.constant 2 : i32
      %broadcast_in_dim3A_179 = vector.broadcast %broadcast_in_dim3A_178 : i32 to vector<16xi32>
      %gt3A_180 = arith.cmpf ogt, %get3A_138, %select_n3A_176 : vector<16xf32>
      %gt3A_181 = arith.cmpf ogt, %get3A_138, %select_n3A_174 : vector<16xf32>
      %select_n3A_182 = arith.select %gt3A_181, %get3A_138, %select_n3A_174 : vector<16xi1>, vector<16xf32>
      %select_n3A_183 = arith.select %gt3A_181, %broadcast_in_dim3A_179, %select_n3A_175 : vector<16xi1>, vector<16xi32>
      %select_n3A_184 = arith.select %gt3A_180, %select_n3A_176, %select_n3A_182 : vector<16xi1>, vector<16xf32>
      %select_n3A_185 = arith.select %gt3A_180, %select_n3A_177, %select_n3A_183 : vector<16xi1>, vector<16xi32>
      %select_n3A_186 = arith.select %gt3A_180, %get3A_138, %select_n3A_176 : vector<16xi1>, vector<16xf32>
      %select_n3A_187 = arith.select %gt3A_180, %broadcast_in_dim3A_179, %select_n3A_177 : vector<16xi1>, vector<16xi32>
      %broadcast_in_dim3A_188 = arith.constant 3 : i32
      %broadcast_in_dim3A_189 = vector.broadcast %broadcast_in_dim3A_188 : i32 to vector<16xi32>
      %gt3A_190 = arith.cmpf ogt, %get3A_143, %select_n3A_186 : vector<16xf32>
      %gt3A_191 = arith.cmpf ogt, %get3A_143, %select_n3A_184 : vector<16xf32>
      %select_n3A_192 = arith.select %gt3A_191, %get3A_143, %select_n3A_184 : vector<16xi1>, vector<16xf32>
      %select_n3A_193 = arith.select %gt3A_191, %broadcast_in_dim3A_189, %select_n3A_185 : vector<16xi1>, vector<16xi32>
      %select_n3A_194 = arith.select %gt3A_190, %select_n3A_186, %select_n3A_192 : vector<16xi1>, vector<16xf32>
      %select_n3A_195 = arith.select %gt3A_190, %select_n3A_187, %select_n3A_193 : vector<16xi1>, vector<16xi32>
      %select_n3A_196 = arith.select %gt3A_190, %get3A_143, %select_n3A_186 : vector<16xi1>, vector<16xf32>
      %select_n3A_197 = arith.select %gt3A_190, %broadcast_in_dim3A_189, %select_n3A_187 : vector<16xi1>, vector<16xi32>
      %broadcast_in_dim3A_198 = arith.constant 4 : i32
      %broadcast_in_dim3A_199 = vector.broadcast %broadcast_in_dim3A_198 : i32 to vector<16xi32>
      %gt3A_200 = arith.cmpf ogt, %get3A_148, %select_n3A_196 : vector<16xf32>
      %gt3A_201 = arith.cmpf ogt, %get3A_148, %select_n3A_194 : vector<16xf32>
      %select_n3A_202 = arith.select %gt3A_201, %get3A_148, %select_n3A_194 : vector<16xi1>, vector<16xf32>
      %select_n3A_203 = arith.select %gt3A_201, %broadcast_in_dim3A_199, %select_n3A_195 : vector<16xi1>, vector<16xi32>
      %select_n3A_204 = arith.select %gt3A_200, %select_n3A_196, %select_n3A_202 : vector<16xi1>, vector<16xf32>
      %select_n3A_205 = arith.select %gt3A_200, %select_n3A_197, %select_n3A_203 : vector<16xi1>, vector<16xi32>
      %select_n3A_206 = arith.select %gt3A_200, %get3A_148, %select_n3A_196 : vector<16xi1>, vector<16xf32>
      %select_n3A_207 = arith.select %gt3A_200, %broadcast_in_dim3A_199, %select_n3A_197 : vector<16xi1>, vector<16xi32>
      %broadcast_in_dim3A_208 = arith.constant 5 : i32
      %broadcast_in_dim3A_209 = vector.broadcast %broadcast_in_dim3A_208 : i32 to vector<16xi32>
      %gt3A_210 = arith.cmpf ogt, %get3A_153, %select_n3A_206 : vector<16xf32>
      %gt3A_211 = arith.cmpf ogt, %get3A_153, %select_n3A_204 : vector<16xf32>
      %select_n3A_212 = arith.select %gt3A_211, %get3A_153, %select_n3A_204 : vector<16xi1>, vector<16xf32>
      %select_n3A_213 = arith.select %gt3A_211, %broadcast_in_dim3A_209, %select_n3A_205 : vector<16xi1>, vector<16xi32>
      %select_n3A_214 = arith.select %gt3A_210, %select_n3A_206, %select_n3A_212 : vector<16xi1>, vector<16xf32>
      %select_n3A_215 = arith.select %gt3A_210, %select_n3A_207, %select_n3A_213 : vector<16xi1>, vector<16xi32>
      %select_n3A_216 = arith.select %gt3A_210, %get3A_153, %select_n3A_206 : vector<16xi1>, vector<16xf32>
      %select_n3A_217 = arith.select %gt3A_210, %broadcast_in_dim3A_209, %select_n3A_207 : vector<16xi1>, vector<16xi32>
      %broadcast_in_dim3A_218 = arith.constant 6 : i32
      %broadcast_in_dim3A_219 = vector.broadcast %broadcast_in_dim3A_218 : i32 to vector<16xi32>
      %gt3A_220 = arith.cmpf ogt, %get3A_158, %select_n3A_216 : vector<16xf32>
      %gt3A_221 = arith.cmpf ogt, %get3A_158, %select_n3A_214 : vector<16xf32>
      %select_n3A_222 = arith.select %gt3A_221, %get3A_158, %select_n3A_214 : vector<16xi1>, vector<16xf32>
      %select_n3A_223 = arith.select %gt3A_221, %broadcast_in_dim3A_219, %select_n3A_215 : vector<16xi1>, vector<16xi32>
      %select_n3A_224 = arith.select %gt3A_220, %select_n3A_216, %select_n3A_222 : vector<16xi1>, vector<16xf32>
      %select_n3A_225 = arith.select %gt3A_220, %select_n3A_217, %select_n3A_223 : vector<16xi1>, vector<16xi32>
      %select_n3A_226 = arith.select %gt3A_220, %get3A_158, %select_n3A_216 : vector<16xi1>, vector<16xf32>
      %select_n3A_227 = arith.select %gt3A_220, %broadcast_in_dim3A_219, %select_n3A_217 : vector<16xi1>, vector<16xi32>
      %broadcast_in_dim3A_228 = arith.constant 7 : i32
      %broadcast_in_dim3A_229 = vector.broadcast %broadcast_in_dim3A_228 : i32 to vector<16xi32>
      %gt3A_230 = arith.cmpf ogt, %get3A_163, %select_n3A_226 : vector<16xf32>
      %gt3A_231 = arith.cmpf ogt, %get3A_163, %select_n3A_224 : vector<16xf32>
      %select_n3A_232 = arith.select %gt3A_231, %get3A_163, %select_n3A_224 : vector<16xi1>, vector<16xf32>
      %select_n3A_233 = arith.select %gt3A_231, %broadcast_in_dim3A_229, %select_n3A_225 : vector<16xi1>, vector<16xi32>
      %select_n3A_234 = arith.select %gt3A_230, %select_n3A_226, %select_n3A_232 : vector<16xi1>, vector<16xf32>
      %select_n3A_235 = arith.select %gt3A_230, %select_n3A_227, %select_n3A_233 : vector<16xi1>, vector<16xi32>
      %select_n3A_236 = arith.select %gt3A_230, %get3A_163, %select_n3A_226 : vector<16xi1>, vector<16xf32>
      %select_n3A_237 = arith.select %gt3A_230, %broadcast_in_dim3A_229, %select_n3A_227 : vector<16xi1>, vector<16xi32>
      %sub3A = arith.subf %select_n3A_234, %select_n3A_236 : vector<16xf32>
      %exp3A = math.exp %sub3A : vector<16xf32>
      %add3A_238 = arith.constant 1.000000e+00 : f32
      %add3A_239 = vector.broadcast %add3A_238 : f32 to vector<16xf32>
      %add3A_240 = arith.addf %add3A_239, %exp3A : vector<16xf32>
      %div3A = arith.constant 1.000000e+00 : f32
      %div3A_241 = vector.broadcast %div3A : f32 to vector<16xf32>
      %div3A_242 = arith.divf %div3A_241, %add3A_240 : vector<16xf32>
      %swap3A_243 = arith.constant 0 : i32
      %swap3A_244 = arith.index_cast %swap3A_243 : i32 to index
      %swap3A_245 = arith.index_cast %mul3A_124 : i32 to index
      %swap3A_246 = tpu.vector_load %arg8[%swap3A_244, %swap3A_245] {strides = array<i32>} : memref<2x1024xf32, #tpu.memory_space<vmem>>, vector<1x16xf32>,
      %swap3A_247 = vector.shape_cast %swap3A_246 : vector<1x16xf32> to vector<16xf32>
      %swap3A_248 = vector.shape_cast %div3A_242 : vector<16xf32> to vector<1x16xf32>
      tpu.vector_store %arg8[%swap3A_244, %swap3A_245], %swap3A_248 {strides = array<i32>} : memref<2x1024xf32, #tpu.memory_space<vmem>>, vector<1x16xf32>,
      %sub3A_249 = arith.constant 1.000000e+00 : f32
      %sub3A_250 = vector.broadcast %sub3A_249 : f32 to vector<16xf32>
      %sub3A_251 = arith.subf %sub3A_250, %div3A_242 : vector<16xf32>
      %swap3A_252 = arith.constant 1 : i32
      %swap3A_253 = arith.index_cast %swap3A_252 : i32 to index
      %swap3A_254 = arith.index_cast %mul3A_124 : i32 to index
      %swap3A_255 = tpu.vector_load %arg8[%swap3A_253, %swap3A_254] {strides = array<i32>} : memref<2x1024xf32, #tpu.memory_space<vmem>>, vector<1x16xf32>,
      %swap3A_256 = vector.shape_cast %swap3A_255 : vector<1x16xf32> to vector<16xf32>
      %swap3A_257 = vector.shape_cast %sub3A_251 : vector<16xf32> to vector<1x16xf32>
      tpu.vector_store %arg8[%swap3A_253, %swap3A_254], %swap3A_257 {strides = array<i32>} : memref<2x1024xf32, #tpu.memory_space<vmem>>, vector<1x16xf32>,
      %swap3A_258 = arith.constant 0 : i32
      %swap3A_259 = arith.index_cast %swap3A_258 : i32 to index
      %swap3A_260 = arith.index_cast %mul3A_124 : i32 to index
      %swap3A_261 = tpu.vector_load %arg9[%swap3A_259, %swap3A_260] {strides = array<i32>} : memref<2x1024xi32, #tpu.memory_space<vmem>>, vector<1x16xi32>,
      %swap3A_262 = vector.shape_cast %swap3A_261 : vector<1x16xi32> to vector<16xi32>
      %swap3A_263 = vector.shape_cast %select_n3A_237 : vector<16xi32> to vector<1x16xi32>
      tpu.vector_store %arg9[%swap3A_259, %swap3A_260], %swap3A_263 {strides = array<i32>} : memref<2x1024xi32, #tpu.memory_space<vmem>>, vector<1x16xi32>,
      %swap3A_264 = arith.constant 1 : i32
      %swap3A_265 = arith.index_cast %swap3A_264 : i32 to index
      %swap3A_266 = arith.index_cast %mul3A_124 : i32 to index
      %swap3A_267 = tpu.vector_load %arg9[%swap3A_265, %swap3A_266] {strides = array<i32>} : memref<2x1024xi32, #tpu.memory_space<vmem>>, vector<1x16xi32>,
      %swap3A_268 = vector.shape_cast %swap3A_267 : vector<1x16xi32> to vector<16xi32>
      %swap3A_269 = vector.shape_cast %select_n3A_235 : vector<16xi32> to vector<1x16xi32>
      tpu.vector_store %arg9[%swap3A_265, %swap3A_266], %swap3A_269 {strides = array<i32>} : memref<2x1024xi32, #tpu.memory_space<vmem>>, vector<1x16xi32>,
      %sub3A_270 = arith.subf %get3A_128, %select_n3A_236 : vector<16xf32>
      %exp3A_271 = math.exp %sub3A_270 : vector<16xf32>
      %sub3A_272 = arith.subf %get3A_133, %select_n3A_236 : vector<16xf32>
      %exp3A_273 = math.exp %sub3A_272 : vector<16xf32>
      %sub3A_274 = arith.subf %get3A_138, %select_n3A_236 : vector<16xf32>
      %exp3A_275 = math.exp %sub3A_274 : vector<16xf32>
      %sub3A_276 = arith.subf %get3A_143, %select_n3A_236 : vector<16xf32>
      %exp3A_277 = math.exp %sub3A_276 : vector<16xf32>
      %sub3A_278 = arith.subf %get3A_148, %select_n3A_236 : vector<16xf32>
      %exp3A_279 = math.exp %sub3A_278 : vector<16xf32>
      %sub3A_280 = arith.subf %get3A_153, %select_n3A_236 : vector<16xf32>
      %exp3A_281 = math.exp %sub3A_280 : vector<16xf32>
      %sub3A_282 = arith.subf %get3A_158, %select_n3A_236 : vector<16xf32>
      %exp3A_283 = math.exp %sub3A_282 : vector<16xf32>
      %sub3A_284 = arith.subf %get3A_163, %select_n3A_236 : vector<16xf32>
      %exp3A_285 = math.exp %sub3A_284 : vector<16xf32>
      %add3A_286 = arith.addf %exp3A_271, %exp3A_273 : vector<16xf32>
      %add3A_287 = arith.addf %add3A_286, %exp3A_275 : vector<16xf32>
      %add3A_288 = arith.addf %add3A_287, %exp3A_277 : vector<16xf32>
      %add3A_289 = arith.addf %add3A_288, %exp3A_279 : vector<16xf32>
      %add3A_290 = arith.addf %add3A_289, %exp3A_281 : vector<16xf32>
      %add3A_291 = arith.addf %add3A_290, %exp3A_283 : vector<16xf32>
      %add3A_292 = arith.addf %add3A_291, %exp3A_285 : vector<16xf32>
      %div3A_293 = arith.constant 1.000000e+00 : f32
      %div3A_294 = vector.broadcast %div3A_293 : f32 to vector<16xf32>
      %div3A_295 = arith.divf %div3A_294, %add3A_292 : vector<16xf32>
      %mul3A_296 = arith.mulf %exp3A_271, %div3A_295 : vector<16xf32>
      %add3A_297 = arith.addf %scan3A_107, %mul3A_296 : vector<16xf32>
      %mul3A_298 = arith.mulf %exp3A_273, %div3A_295 : vector<16xf32>
      %add3A_299 = arith.addf %scan3A_108, %mul3A_298 : vector<16xf32>
      %mul3A_300 = arith.mulf %exp3A_275, %div3A_295 : vector<16xf32>
      %add3A_301 = arith.addf %scan3A_109, %mul3A_300 : vector<16xf32>
      %mul3A_302 = arith.mulf %exp3A_277, %div3A_295 : vector<16xf32>
      %add3A_303 = arith.addf %scan3A_110, %mul3A_302 : vector<16xf32>
      %mul3A_304 = arith.mulf %exp3A_279, %div3A_295 : vector<16xf32>
      %add3A_305 = arith.addf %scan3A_111, %mul3A_304 : vector<16xf32>
      %mul3A_306 = arith.mulf %exp3A_281, %div3A_295 : vector<16xf32>
      %add3A_307 = arith.addf %scan3A_112, %mul3A_306 : vector<16xf32>
      %mul3A_308 = arith.mulf %exp3A_283, %div3A_295 : vector<16xf32>
      %add3A_309 = arith.addf %scan3A_113, %mul3A_308 : vector<16xf32>
      %mul3A_310 = arith.mulf %exp3A_285, %div3A_295 : vector<16xf32>
      %add3A_311 = arith.addf %scan3A_114, %mul3A_310 : vector<16xf32>
      %broadcast_in_dim3A_312 = arith.constant 0 : i32
      %broadcast_in_dim3A_313 = vector.broadcast %broadcast_in_dim3A_312 : i32 to vector<16xi32>
      %eq3A = arith.cmpi eq, %select_n3A_237, %broadcast_in_dim3A_313 : vector<16xi32>
      %select_n3A_314 = arith.select %eq3A, %broadcast_in_dim3A_5, %broadcast_in_dim3A_3 : vector<16xi1>, vector<16xf32>
      %add3A_315 = arith.addf %scan3A_115, %select_n3A_314 : vector<16xf32>
      %broadcast_in_dim3A_316 = arith.constant 1 : i32
      %broadcast_in_dim3A_317 = vector.broadcast %broadcast_in_dim3A_316 : i32 to vector<16xi32>
      %eq3A_318 = arith.cmpi eq, %select_n3A_237, %broadcast_in_dim3A_317 : vector<16xi32>
      %select_n3A_319 = arith.select %eq3A_318, %broadcast_in_dim3A_5, %broadcast_in_dim3A_3 : vector<16xi1>, vector<16xf32>
      %add3A_320 = arith.addf %scan3A_116, %select_n3A_319 : vector<16xf32>
      %broadcast_in_dim3A_321 = arith.constant 2 : i32
      %broadcast_in_dim3A_322 = vector.broadcast %broadcast_in_dim3A_321 : i32 to vector<16xi32>
      %eq3A_323 = arith.cmpi eq, %select_n3A_237, %broadcast_in_dim3A_322 : vector<16xi32>
      %select_n3A_324 = arith.select %eq3A_323, %broadcast_in_dim3A_5, %broadcast_in_dim3A_3 : vector<16xi1>, vector<16xf32>
      %add3A_325 = arith.addf %scan3A_117, %select_n3A_324 : vector<16xf32>
      %broadcast_in_dim3A_326 = arith.constant 3 : i32
      %broadcast_in_dim3A_327 = vector.broadcast %broadcast_in_dim3A_326 : i32 to vector<16xi32>
      %eq3A_328 = arith.cmpi eq, %select_n3A_237, %broadcast_in_dim3A_327 : vector<16xi32>
      %select_n3A_329 = arith.select %eq3A_328, %broadcast_in_dim3A_5, %broadcast_in_dim3A_3 : vector<16xi1>, vector<16xf32>
      %add3A_330 = arith.addf %scan3A_118, %select_n3A_329 : vector<16xf32>
      %broadcast_in_dim3A_331 = arith.constant 4 : i32
      %broadcast_in_dim3A_332 = vector.broadcast %broadcast_in_dim3A_331 : i32 to vector<16xi32>
      %eq3A_333 = arith.cmpi eq, %select_n3A_237, %broadcast_in_dim3A_332 : vector<16xi32>
      %select_n3A_334 = arith.select %eq3A_333, %broadcast_in_dim3A_5, %broadcast_in_dim3A_3 : vector<16xi1>, vector<16xf32>
      %add3A_335 = arith.addf %scan3A_119, %select_n3A_334 : vector<16xf32>
      %broadcast_in_dim3A_336 = arith.constant 5 : i32
      %broadcast_in_dim3A_337 = vector.broadcast %broadcast_in_dim3A_336 : i32 to vector<16xi32>
      %eq3A_338 = arith.cmpi eq, %select_n3A_237, %broadcast_in_dim3A_337 : vector<16xi32>
      %select_n3A_339 = arith.select %eq3A_338, %broadcast_in_dim3A_5, %broadcast_in_dim3A_3 : vector<16xi1>, vector<16xf32>
      %add3A_340 = arith.addf %scan3A_120, %select_n3A_339 : vector<16xf32>
      %broadcast_in_dim3A_341 = arith.constant 6 : i32
      %broadcast_in_dim3A_342 = vector.broadcast %broadcast_in_dim3A_341 : i32 to vector<16xi32>
      %eq3A_343 = arith.cmpi eq, %select_n3A_237, %broadcast_in_dim3A_342 : vector<16xi32>
      %select_n3A_344 = arith.select %eq3A_343, %broadcast_in_dim3A_5, %broadcast_in_dim3A_3 : vector<16xi1>, vector<16xf32>
      %add3A_345 = arith.addf %scan3A_121, %select_n3A_344 : vector<16xf32>
      %broadcast_in_dim3A_346 = arith.constant 7 : i32
      %broadcast_in_dim3A_347 = vector.broadcast %broadcast_in_dim3A_346 : i32 to vector<16xi32>
      %eq3A_348 = arith.cmpi eq, %select_n3A_237, %broadcast_in_dim3A_347 : vector<16xi32>
      %select_n3A_349 = arith.select %eq3A_348, %broadcast_in_dim3A_5, %broadcast_in_dim3A_3 : vector<16xi1>, vector<16xf32>
      %add3A_350 = arith.addf %scan3A_122, %select_n3A_349 : vector<16xf32>
      scf.yield %add3A_297, %add3A_299, %add3A_301, %add3A_303, %add3A_305, %add3A_307, %add3A_309, %add3A_311, %add3A_315, %add3A_320, %add3A_325, %add3A_330, %add3A_335, %add3A_340, %add3A_345, %add3A_350 : vector<16xf32>, vector<16xf32>, vector<16xf32>, vector<16xf32>, vector<16xf32>, vector<16xf32>, vector<16xf32>, vector<16xf32>, vector<16xf32>, vector<16xf32>, vector<16xf32>, vector<16xf32>, vector<16xf32>, vector<16xf32>, vector<16xf32>, vector<16xf32>
    }
    %scan3A_10 = arith.constant 64 : i32
    %swap3A = arith.constant 0 : i32
    %swap3A_11 = arith.index_cast %swap3A : i32 to index
    %swap3A_12 = arith.constant 0 : index
    %swap3A_13 = tpu.vector_load %arg10[%swap3A_11, %swap3A_12] {strides = array<i32>} : memref<8x16xf32, #tpu.memory_space<vmem>>, vector<1x16xf32>,
    %swap3A_14 = vector.shape_cast %swap3A_13 : vector<1x16xf32> to vector<16xf32>
    %swap3A_15 = vector.shape_cast %scan3A_9#0 : vector<16xf32> to vector<1x16xf32>
    tpu.vector_store %arg10[%swap3A_11, %swap3A_12], %swap3A_15 {strides = array<i32>} : memref<8x16xf32, #tpu.memory_space<vmem>>, vector<1x16xf32>,
    %swap3A_16 = arith.constant 0 : i32
    %swap3A_17 = arith.index_cast %swap3A_16 : i32 to index
    %swap3A_18 = arith.constant 0 : index
    %swap3A_19 = tpu.vector_load %arg11[%swap3A_17, %swap3A_18] {strides = array<i32>} : memref<8x16xf32, #tpu.memory_space<vmem>>, vector<1x16xf32>,
    %swap3A_20 = vector.shape_cast %swap3A_19 : vector<1x16xf32> to vector<16xf32>
    %swap3A_21 = vector.shape_cast %scan3A_9#8 : vector<16xf32> to vector<1x16xf32>
    tpu.vector_store %arg11[%swap3A_17, %swap3A_18], %swap3A_21 {strides = array<i32>} : memref<8x16xf32, #tpu.memory_space<vmem>>, vector<1x16xf32>,
    %swap3A_22 = arith.constant 1 : i32
    %swap3A_23 = arith.index_cast %swap3A_22 : i32 to index
    %swap3A_24 = arith.constant 0 : index
    %swap3A_25 = tpu.vector_load %arg10[%swap3A_23, %swap3A_24] {strides = array<i32>} : memref<8x16xf32, #tpu.memory_space<vmem>>, vector<1x16xf32>,
    %swap3A_26 = vector.shape_cast %swap3A_25 : vector<1x16xf32> to vector<16xf32>
    %swap3A_27 = vector.shape_cast %scan3A_9#1 : vector<16xf32> to vector<1x16xf32>
    tpu.vector_store %arg10[%swap3A_23, %swap3A_24], %swap3A_27 {strides = array<i32>} : memref<8x16xf32, #tpu.memory_space<vmem>>, vector<1x16xf32>,
    %swap3A_28 = arith.constant 1 : i32
    %swap3A_29 = arith.index_cast %swap3A_28 : i32 to index
    %swap3A_30 = arith.constant 0 : index
    %swap3A_31 = tpu.vector_load %arg11[%swap3A_29, %swap3A_30] {strides = array<i32>} : memref<8x16xf32, #tpu.memory_space<vmem>>, vector<1x16xf32>,
    %swap3A_32 = vector.shape_cast %swap3A_31 : vector<1x16xf32> to vector<16xf32>
    %swap3A_33 = vector.shape_cast %scan3A_9#9 : vector<16xf32> to vector<1x16xf32>
    tpu.vector_store %arg11[%swap3A_29, %swap3A_30], %swap3A_33 {strides = array<i32>} : memref<8x16xf32, #tpu.memory_space<vmem>>, vector<1x16xf32>,
    %swap3A_34 = arith.constant 2 : i32
    %swap3A_35 = arith.index_cast %swap3A_34 : i32 to index
    %swap3A_36 = arith.constant 0 : index
    %swap3A_37 = tpu.vector_load %arg10[%swap3A_35, %swap3A_36] {strides = array<i32>} : memref<8x16xf32, #tpu.memory_space<vmem>>, vector<1x16xf32>,
    %swap3A_38 = vector.shape_cast %swap3A_37 : vector<1x16xf32> to vector<16xf32>
    %swap3A_39 = vector.shape_cast %scan3A_9#2 : vector<16xf32> to vector<1x16xf32>
    tpu.vector_store %arg10[%swap3A_35, %swap3A_36], %swap3A_39 {strides = array<i32>} : memref<8x16xf32, #tpu.memory_space<vmem>>, vector<1x16xf32>,
    %swap3A_40 = arith.constant 2 : i32
    %swap3A_41 = arith.index_cast %swap3A_40 : i32 to index
    %swap3A_42 = arith.constant 0 : index
    %swap3A_43 = tpu.vector_load %arg11[%swap3A_41, %swap3A_42] {strides = array<i32>} : memref<8x16xf32, #tpu.memory_space<vmem>>, vector<1x16xf32>,
    %swap3A_44 = vector.shape_cast %swap3A_43 : vector<1x16xf32> to vector<16xf32>
    %swap3A_45 = vector.shape_cast %scan3A_9#10 : vector<16xf32> to vector<1x16xf32>
    tpu.vector_store %arg11[%swap3A_41, %swap3A_42], %swap3A_45 {strides = array<i32>} : memref<8x16xf32, #tpu.memory_space<vmem>>, vector<1x16xf32>,
    %swap3A_46 = arith.constant 3 : i32
    %swap3A_47 = arith.index_cast %swap3A_46 : i32 to index
    %swap3A_48 = arith.constant 0 : index
    %swap3A_49 = tpu.vector_load %arg10[%swap3A_47, %swap3A_48] {strides = array<i32>} : memref<8x16xf32, #tpu.memory_space<vmem>>, vector<1x16xf32>,
    %swap3A_50 = vector.shape_cast %swap3A_49 : vector<1x16xf32> to vector<16xf32>
    %swap3A_51 = vector.shape_cast %scan3A_9#3 : vector<16xf32> to vector<1x16xf32>
    tpu.vector_store %arg10[%swap3A_47, %swap3A_48], %swap3A_51 {strides = array<i32>} : memref<8x16xf32, #tpu.memory_space<vmem>>, vector<1x16xf32>,
    %swap3A_52 = arith.constant 3 : i32
    %swap3A_53 = arith.index_cast %swap3A_52 : i32 to index
    %swap3A_54 = arith.constant 0 : index
    %swap3A_55 = tpu.vector_load %arg11[%swap3A_53, %swap3A_54] {strides = array<i32>} : memref<8x16xf32, #tpu.memory_space<vmem>>, vector<1x16xf32>,
    %swap3A_56 = vector.shape_cast %swap3A_55 : vector<1x16xf32> to vector<16xf32>
    %swap3A_57 = vector.shape_cast %scan3A_9#11 : vector<16xf32> to vector<1x16xf32>
    tpu.vector_store %arg11[%swap3A_53, %swap3A_54], %swap3A_57 {strides = array<i32>} : memref<8x16xf32, #tpu.memory_space<vmem>>, vector<1x16xf32>,
    %swap3A_58 = arith.constant 4 : i32
    %swap3A_59 = arith.index_cast %swap3A_58 : i32 to index
    %swap3A_60 = arith.constant 0 : index
    %swap3A_61 = tpu.vector_load %arg10[%swap3A_59, %swap3A_60] {strides = array<i32>} : memref<8x16xf32, #tpu.memory_space<vmem>>, vector<1x16xf32>,
    %swap3A_62 = vector.shape_cast %swap3A_61 : vector<1x16xf32> to vector<16xf32>
    %swap3A_63 = vector.shape_cast %scan3A_9#4 : vector<16xf32> to vector<1x16xf32>
    tpu.vector_store %arg10[%swap3A_59, %swap3A_60], %swap3A_63 {strides = array<i32>} : memref<8x16xf32, #tpu.memory_space<vmem>>, vector<1x16xf32>,
    %swap3A_64 = arith.constant 4 : i32
    %swap3A_65 = arith.index_cast %swap3A_64 : i32 to index
    %swap3A_66 = arith.constant 0 : index
    %swap3A_67 = tpu.vector_load %arg11[%swap3A_65, %swap3A_66] {strides = array<i32>} : memref<8x16xf32, #tpu.memory_space<vmem>>, vector<1x16xf32>,
    %swap3A_68 = vector.shape_cast %swap3A_67 : vector<1x16xf32> to vector<16xf32>
    %swap3A_69 = vector.shape_cast %scan3A_9#12 : vector<16xf32> to vector<1x16xf32>
    tpu.vector_store %arg11[%swap3A_65, %swap3A_66], %swap3A_69 {strides = array<i32>} : memref<8x16xf32, #tpu.memory_space<vmem>>, vector<1x16xf32>,
    %swap3A_70 = arith.constant 5 : i32
    %swap3A_71 = arith.index_cast %swap3A_70 : i32 to index
    %swap3A_72 = arith.constant 0 : index
    %swap3A_73 = tpu.vector_load %arg10[%swap3A_71, %swap3A_72] {strides = array<i32>} : memref<8x16xf32, #tpu.memory_space<vmem>>, vector<1x16xf32>,
    %swap3A_74 = vector.shape_cast %swap3A_73 : vector<1x16xf32> to vector<16xf32>
    %swap3A_75 = vector.shape_cast %scan3A_9#5 : vector<16xf32> to vector<1x16xf32>
    tpu.vector_store %arg10[%swap3A_71, %swap3A_72], %swap3A_75 {strides = array<i32>} : memref<8x16xf32, #tpu.memory_space<vmem>>, vector<1x16xf32>,
    %swap3A_76 = arith.constant 5 : i32
    %swap3A_77 = arith.index_cast %swap3A_76 : i32 to index
    %swap3A_78 = arith.constant 0 : index
    %swap3A_79 = tpu.vector_load %arg11[%swap3A_77, %swap3A_78] {strides = array<i32>} : memref<8x16xf32, #tpu.memory_space<vmem>>, vector<1x16xf32>,
    %swap3A_80 = vector.shape_cast %swap3A_79 : vector<1x16xf32> to vector<16xf32>
    %swap3A_81 = vector.shape_cast %scan3A_9#13 : vector<16xf32> to vector<1x16xf32>
    tpu.vector_store %arg11[%swap3A_77, %swap3A_78], %swap3A_81 {strides = array<i32>} : memref<8x16xf32, #tpu.memory_space<vmem>>, vector<1x16xf32>,
    %swap3A_82 = arith.constant 6 : i32
    %swap3A_83 = arith.index_cast %swap3A_82 : i32 to index
    %swap3A_84 = arith.constant 0 : index
    %swap3A_85 = tpu.vector_load %arg10[%swap3A_83, %swap3A_84] {strides = array<i32>} : memref<8x16xf32, #tpu.memory_space<vmem>>, vector<1x16xf32>,
    %swap3A_86 = vector.shape_cast %swap3A_85 : vector<1x16xf32> to vector<16xf32>
    %swap3A_87 = vector.shape_cast %scan3A_9#6 : vector<16xf32> to vector<1x16xf32>
    tpu.vector_store %arg10[%swap3A_83, %swap3A_84], %swap3A_87 {strides = array<i32>} : memref<8x16xf32, #tpu.memory_space<vmem>>, vector<1x16xf32>,
    %swap3A_88 = arith.constant 6 : i32
    %swap3A_89 = arith.index_cast %swap3A_88 : i32 to index
    %swap3A_90 = arith.constant 0 : index
    %swap3A_91 = tpu.vector_load %arg11[%swap3A_89, %swap3A_90] {strides = array<i32>} : memref<8x16xf32, #tpu.memory_space<vmem>>, vector<1x16xf32>,
    %swap3A_92 = vector.shape_cast %swap3A_91 : vector<1x16xf32> to vector<16xf32>
    %swap3A_93 = vector.shape_cast %scan3A_9#14 : vector<16xf32> to vector<1x16xf32>
    tpu.vector_store %arg11[%swap3A_89, %swap3A_90], %swap3A_93 {strides = array<i32>} : memref<8x16xf32, #tpu.memory_space<vmem>>, vector<1x16xf32>,
    %swap3A_94 = arith.constant 7 : i32
    %swap3A_95 = arith.index_cast %swap3A_94 : i32 to index
    %swap3A_96 = arith.constant 0 : index
    %swap3A_97 = tpu.vector_load %arg10[%swap3A_95, %swap3A_96] {strides = array<i32>} : memref<8x16xf32, #tpu.memory_space<vmem>>, vector<1x16xf32>,
    %swap3A_98 = vector.shape_cast %swap3A_97 : vector<1x16xf32> to vector<16xf32>
    %swap3A_99 = vector.shape_cast %scan3A_9#7 : vector<16xf32> to vector<1x16xf32>
    tpu.vector_store %arg10[%swap3A_95, %swap3A_96], %swap3A_99 {strides = array<i32>} : memref<8x16xf32, #tpu.memory_space<vmem>>, vector<1x16xf32>,
    %swap3A_100 = arith.constant 7 : i32
    %swap3A_101 = arith.index_cast %swap3A_100 : i32 to index
    %swap3A_102 = arith.constant 0 : index
    %swap3A_103 = tpu.vector_load %arg11[%swap3A_101, %swap3A_102] {strides = array<i32>} : memref<8x16xf32, #tpu.memory_space<vmem>>, vector<1x16xf32>,
    %swap3A_104 = vector.shape_cast %swap3A_103 : vector<1x16xf32> to vector<16xf32>
    %swap3A_105 = vector.shape_cast %scan3A_9#15 : vector<16xf32> to vector<1x16xf32>
    tpu.vector_store %arg11[%swap3A_101, %swap3A_102], %swap3A_105 {strides = array<i32>} : memref<8x16xf32, #tpu.memory_space<vmem>>, vector<1x16xf32>,
    "tpu.region"() ({
      %run_scoped3A = tpu.sem_alloc : memref<!tpu.dma_semaphore, #tpu.memory_space<semaphore_mem>>
      %dma_start3A = arith.constant 0 : i32
      %dma_start3A_106 = tpu.memref_slice %arg3[%dma_start3A, %mul3A_2] : memref<2x32768xf32, #tpu.memory_space<hbm>> -> memref<2x1024xf32, #tpu.memory_space<hbm>>
      %dma_start3A_107 = arith.constant 0 : i32
      %dma_start3A_108 = tpu.memref_slice %arg3[%dma_start3A_107, %mul3A_2] : memref<2x32768xf32, #tpu.memory_space<hbm>> -> memref<2x1024xf32, #tpu.memory_space<hbm>>
      tpu.enqueue_dma source(%arg8 : memref<2x1024xf32, #tpu.memory_space<vmem>>) target(%dma_start3A_108 : memref<2x1024xf32, #tpu.memory_space<hbm>>) target_semaphore(%run_scoped3A : memref<!tpu.dma_semaphore, #tpu.memory_space<semaphore_mem>>)
      %dma_wait3A = arith.constant 0 : i32
      %dma_wait3A_109 = tpu.memref_slice %arg3[%dma_wait3A, %mul3A_2] : memref<2x32768xf32, #tpu.memory_space<hbm>> -> memref<2x1024xf32, #tpu.memory_space<hbm>>
      %dma_wait3A_110 = arith.constant 0 : i32
      %dma_wait3A_111 = tpu.memref_slice %arg3[%dma_wait3A_110, %mul3A_2] : memref<2x32768xf32, #tpu.memory_space<hbm>> -> memref<2x1024xf32, #tpu.memory_space<hbm>>
      tpu.wait_dma2 semaphore(%run_scoped3A : memref<!tpu.dma_semaphore, #tpu.memory_space<semaphore_mem>>) src(%arg8 : memref<2x1024xf32, #tpu.memory_space<vmem>>) dst(%dma_wait3A_111 : memref<2x1024xf32, #tpu.memory_space<hbm>>)
      tpu.yield
    }) : () -> ()
    "tpu.region"() ({
      %run_scoped3A = tpu.sem_alloc : memref<!tpu.dma_semaphore, #tpu.memory_space<semaphore_mem>>
      %dma_start3A = arith.constant 0 : i32
      %dma_start3A_106 = tpu.memref_slice %arg4[%dma_start3A, %mul3A_2] : memref<2x32768xi32, #tpu.memory_space<hbm>> -> memref<2x1024xi32, #tpu.memory_space<hbm>>
      %dma_start3A_107 = arith.constant 0 : i32
      %dma_start3A_108 = tpu.memref_slice %arg4[%dma_start3A_107, %mul3A_2] : memref<2x32768xi32, #tpu.memory_space<hbm>> -> memref<2x1024xi32, #tpu.memory_space<hbm>>
      tpu.enqueue_dma source(%arg9 : memref<2x1024xi32, #tpu.memory_space<vmem>>) target(%dma_start3A_108 : memref<2x1024xi32, #tpu.memory_space<hbm>>) target_semaphore(%run_scoped3A : memref<!tpu.dma_semaphore, #tpu.memory_space<semaphore_mem>>)
      %dma_wait3A = arith.constant 0 : i32
      %dma_wait3A_109 = tpu.memref_slice %arg4[%dma_wait3A, %mul3A_2] : memref<2x32768xi32, #tpu.memory_space<hbm>> -> memref<2x1024xi32, #tpu.memory_space<hbm>>
      %dma_wait3A_110 = arith.constant 0 : i32
      %dma_wait3A_111 = tpu.memref_slice %arg4[%dma_wait3A_110, %mul3A_2] : memref<2x32768xi32, #tpu.memory_space<hbm>> -> memref<2x1024xi32, #tpu.memory_space<hbm>>
      tpu.wait_dma2 semaphore(%run_scoped3A : memref<!tpu.dma_semaphore, #tpu.memory_space<semaphore_mem>>) src(%arg9 : memref<2x1024xi32, #tpu.memory_space<vmem>>) dst(%dma_wait3A_111 : memref<2x1024xi32, #tpu.memory_space<hbm>>)
      tpu.yield
    }) : () -> ()
    "tpu.region"() ({
      %run_scoped3A = tpu.sem_alloc : memref<!tpu.dma_semaphore, #tpu.memory_space<semaphore_mem>>
      %dma_start3A = arith.constant 0 : i32
      %dma_start3A_106 = arith.constant 0 : i32
      %dma_start3A_107 = tpu.memref_slice %arg5[%add3A, %dma_start3A, %dma_start3A_106] : memref<32x8x16xf32, #tpu.memory_space<hbm>> -> memref<1x8x16xf32, #tpu.memory_space<hbm>>
      %dma_start3A_108 = tpu.memref_squeeze %dma_start3A_107 : memref<1x8x16xf32, #tpu.memory_space<hbm>> -> memref<8x16xf32, #tpu.memory_space<hbm>>
      %dma_start3A_109 = arith.constant 0 : i32
      %dma_start3A_110 = arith.constant 0 : i32
      %dma_start3A_111 = tpu.memref_slice %arg5[%add3A, %dma_start3A_109, %dma_start3A_110] : memref<32x8x16xf32, #tpu.memory_space<hbm>> -> memref<1x8x16xf32, #tpu.memory_space<hbm>>
      %dma_start3A_112 = tpu.memref_squeeze %dma_start3A_111 : memref<1x8x16xf32, #tpu.memory_space<hbm>> -> memref<8x16xf32, #tpu.memory_space<hbm>>
      tpu.enqueue_dma source(%arg10 : memref<8x16xf32, #tpu.memory_space<vmem>>) target(%dma_start3A_112 : memref<8x16xf32, #tpu.memory_space<hbm>>) target_semaphore(%run_scoped3A : memref<!tpu.dma_semaphore, #tpu.memory_space<semaphore_mem>>)
      %dma_wait3A = arith.constant 0 : i32
      %dma_wait3A_113 = arith.constant 0 : i32
      %dma_wait3A_114 = tpu.memref_slice %arg5[%add3A, %dma_wait3A, %dma_wait3A_113] : memref<32x8x16xf32, #tpu.memory_space<hbm>> -> memref<1x8x16xf32, #tpu.memory_space<hbm>>
      %dma_wait3A_115 = tpu.memref_squeeze %dma_wait3A_114 : memref<1x8x16xf32, #tpu.memory_space<hbm>> -> memref<8x16xf32, #tpu.memory_space<hbm>>
      %dma_wait3A_116 = arith.constant 0 : i32
      %dma_wait3A_117 = arith.constant 0 : i32
      %dma_wait3A_118 = tpu.memref_slice %arg5[%add3A, %dma_wait3A_116, %dma_wait3A_117] : memref<32x8x16xf32, #tpu.memory_space<hbm>> -> memref<1x8x16xf32, #tpu.memory_space<hbm>>
      %dma_wait3A_119 = tpu.memref_squeeze %dma_wait3A_118 : memref<1x8x16xf32, #tpu.memory_space<hbm>> -> memref<8x16xf32, #tpu.memory_space<hbm>>
      tpu.wait_dma2 semaphore(%run_scoped3A : memref<!tpu.dma_semaphore, #tpu.memory_space<semaphore_mem>>) src(%arg10 : memref<8x16xf32, #tpu.memory_space<vmem>>) dst(%dma_wait3A_119 : memref<8x16xf32, #tpu.memory_space<hbm>>)
      tpu.yield
    }) : () -> ()
    "tpu.region"() ({
      %run_scoped3A = tpu.sem_alloc : memref<!tpu.dma_semaphore, #tpu.memory_space<semaphore_mem>>
      %dma_start3A = arith.constant 0 : i32
      %dma_start3A_106 = arith.constant 0 : i32
      %dma_start3A_107 = tpu.memref_slice %arg6[%add3A, %dma_start3A, %dma_start3A_106] : memref<32x8x16xf32, #tpu.memory_space<hbm>> -> memref<1x8x16xf32, #tpu.memory_space<hbm>>
      %dma_start3A_108 = tpu.memref_squeeze %dma_start3A_107 : memref<1x8x16xf32, #tpu.memory_space<hbm>> -> memref<8x16xf32, #tpu.memory_space<hbm>>
      %dma_start3A_109 = arith.constant 0 : i32
      %dma_start3A_110 = arith.constant 0 : i32
      %dma_start3A_111 = tpu.memref_slice %arg6[%add3A, %dma_start3A_109, %dma_start3A_110] : memref<32x8x16xf32, #tpu.memory_space<hbm>> -> memref<1x8x16xf32, #tpu.memory_space<hbm>>
      %dma_start3A_112 = tpu.memref_squeeze %dma_start3A_111 : memref<1x8x16xf32, #tpu.memory_space<hbm>> -> memref<8x16xf32, #tpu.memory_space<hbm>>
      tpu.enqueue_dma source(%arg11 : memref<8x16xf32, #tpu.memory_space<vmem>>) target(%dma_start3A_112 : memref<8x16xf32, #tpu.memory_space<hbm>>) target_semaphore(%run_scoped3A : memref<!tpu.dma_semaphore, #tpu.memory_space<semaphore_mem>>)
      %dma_wait3A = arith.constant 0 : i32
      %dma_wait3A_113 = arith.constant 0 : i32
      %dma_wait3A_114 = tpu.memref_slice %arg6[%add3A, %dma_wait3A, %dma_wait3A_113] : memref<32x8x16xf32, #tpu.memory_space<hbm>> -> memref<1x8x16xf32, #tpu.memory_space<hbm>>
      %dma_wait3A_115 = tpu.memref_squeeze %dma_wait3A_114 : memref<1x8x16xf32, #tpu.memory_space<hbm>> -> memref<8x16xf32, #tpu.memory_space<hbm>>
      %dma_wait3A_116 = arith.constant 0 : i32
      %dma_wait3A_117 = arith.constant 0 : i32
      %dma_wait3A_118 = tpu.memref_slice %arg6[%add3A, %dma_wait3A_116, %dma_wait3A_117] : memref<32x8x16xf32, #tpu.memory_space<hbm>> -> memref<1x8x16xf32, #tpu.memory_space<hbm>>
      %dma_wait3A_119 = tpu.memref_squeeze %dma_wait3A_118 : memref<1x8x16xf32, #tpu.memory_space<hbm>> -> memref<8x16xf32, #tpu.memory_space<hbm>>
      tpu.wait_dma2 semaphore(%run_scoped3A : memref<!tpu.dma_semaphore, #tpu.memory_space<semaphore_mem>>) src(%arg11 : memref<8x16xf32, #tpu.memory_space<vmem>>) dst(%dma_wait3A_119 : memref<8x16xf32, #tpu.memory_space<hbm>>)
      tpu.yield
    }) : () -> ()
    return
  }
}

module attributes {stable_mosaic.version = 14 : i64} {
  func.func @_logits_kernel(%arg0: i32, %arg1: memref<2048x768xf32, #tpu.memory_space<vmem>>, %arg2: memref<768x8xf32, #tpu.memory_space<vmem>>, %arg3: memref<8x2048xf32, #tpu.memory_space<vmem>>) attributes {dimension_semantics = [#tpu.dimension_semantics<arbitrary>], iteration_bounds = array<i64: 16>, scalar_prefetch = 0 : i64, scratch_operands = 0 : i64, tpu.core_type = #tpu.core_type<tc>, window_params = [{transform_indices = @transform_0, window_bounds = array<i64: 2048, 768>}, {pipeline_mode = #tpu.pipeline_mode<synchronous>, transform_indices = @transform_1, window_bounds = array<i64: 768, 8>}, {transform_indices = @transform_2, window_bounds = array<i64: 8, 2048>}]} {
    %get3A = arith.constant 0 : index
    %get3A_0 = arith.constant 0 : index
    %get3A_1 = vector.load %arg1[%get3A, %get3A_0] : memref<2048x768xf32, #tpu.memory_space<vmem>>, vector<2048x768xf32>
    %get3A_2 = arith.constant 0 : index
    %get3A_3 = arith.constant 0 : index
    %get3A_4 = vector.load %arg2[%get3A_2, %get3A_3] : memref<768x8xf32, #tpu.memory_space<vmem>>, vector<768x8xf32>
    %dot_general3A = arith.constant dense<0.000000e+00> : vector<2048x8xf32>
    %dot_general3A_5 = tpu.matmul %get3A_1, %get3A_4, %dot_general3A {dimension_numbers = #tpu.dot_dimension_numbers<[1], [0], [0], [1], [0, 0, 1, 1], [], []>, transpose_lhs_hint = false} : vector<2048x768xf32>, vector<768x8xf32>, vector<2048x8xf32> -> vector<2048x8xf32>
    %transpose3A = tpu.transpose %dot_general3A_5, [1, 0] : vector<2048x8xf32> -> vector<8x2048xf32>
    %swap3A = arith.constant 0 : index
    %swap3A_6 = arith.constant 0 : index
    %swap3A_7 = vector.load %arg3[%swap3A, %swap3A_6] : memref<8x2048xf32, #tpu.memory_space<vmem>>, vector<8x2048xf32>
    tpu.vector_store %arg3[%swap3A, %swap3A_6], %transpose3A {strides = array<i32>} : memref<8x2048xf32, #tpu.memory_space<vmem>>, vector<8x2048xf32>,
    return
  }
  func.func @transform_0(%arg0: i32) -> (i32, i32) {
    %c0_i32 = arith.constant 0 : i32
    %c0_i32_0 = arith.constant 0 : i32
    return %arg0, %c0_i32 : i32, i32
  }
  func.func @transform_1(%arg0: i32) -> (i32, i32) {
    %c0_i32 = arith.constant 0 : i32
    %c0_i32_0 = arith.constant 0 : i32
    %c0_i32_1 = arith.constant 0 : i32
    return %c0_i32, %c0_i32_0 : i32, i32
  }
  func.func @transform_2(%arg0: i32) -> (i32, i32) {
    %c0_i32 = arith.constant 0 : i32
    %c0_i32_0 = arith.constant 0 : i32
    return %c0_i32, %arg0 : i32, i32
  }
}

module attributes {stable_mosaic.version = 14 : i64} {
  func.func @_aux_kernel(%arg0: memref<32x8x16xf32, #tpu.memory_space<vmem>>, %arg1: memref<32x8x16xf32, #tpu.memory_space<vmem>>, %arg2: memref<1x1xf32, #tpu.memory_space<smem>>) attributes {dimension_semantics = [], scalar_prefetch = 0 : i64, scratch_operands = 0 : i64, tpu.core_type = #tpu.core_type<tc>} {
    %get3A = arith.constant 0 : index
    %get3A_0 = arith.constant 0 : index
    %get3A_1 = arith.constant 0 : index
    %get3A_2 = vector.load %arg0[%get3A, %get3A_0, %get3A_1] : memref<32x8x16xf32, #tpu.memory_space<vmem>>, vector<32x8x16xf32>
    %reduce_sum3A = arith.constant dense<0.000000e+00> : vector<8xf32>
    %reduce_sum3A_3 = vector.multi_reduction <add>, %get3A_2, %reduce_sum3A [0, 2] : vector<32x8x16xf32> to vector<8xf32>
    %get3A_4 = arith.constant 0 : index
    %get3A_5 = arith.constant 0 : index
    %get3A_6 = arith.constant 0 : index
    %get3A_7 = vector.load %arg1[%get3A_4, %get3A_5, %get3A_6] : memref<32x8x16xf32, #tpu.memory_space<vmem>>, vector<32x8x16xf32>
    %reduce_sum3A_8 = arith.constant dense<0.000000e+00> : vector<8xf32>
    %reduce_sum3A_9 = vector.multi_reduction <add>, %get3A_7, %reduce_sum3A_8 [0, 2] : vector<32x8x16xf32> to vector<8xf32>
    %mul3A = arith.mulf %reduce_sum3A_3, %reduce_sum3A_9 : vector<8xf32>
    %reduce_sum3A_10 = vector.shape_cast %mul3A : vector<8xf32> to vector<1x8xf32>
    %reduce_sum3A_11 = arith.constant dense<0.000000e+00> : vector<1xf32>
    %reduce_sum3A_12 = vector.multi_reduction <add>, %reduce_sum3A_10, %reduce_sum3A_11 [1] : vector<1x8xf32> to vector<1xf32>
    %reduce_sum3A_13 = vector.shape_cast %reduce_sum3A_12 : vector<1xf32> to vector<1x1xf32>
    %reduce_sum3A_14 = vector.extract %reduce_sum3A_13[0, 0] : f32 from vector<1x1xf32>
    %mul3A_15 = arith.constant 7.4505806E-9 : f32
    %mul3A_16 = arith.mulf %mul3A_15, %reduce_sum3A_14 : f32
    %swap3A = arith.constant 0 : index
    %swap3A_17 = arith.constant 0 : index
    %swap3A_18 = memref.load %arg2[%swap3A, %swap3A_17] : memref<1x1xf32, #tpu.memory_space<smem>>
    memref.store %mul3A_16, %arg2[%swap3A, %swap3A_17] : memref<1x1xf32, #tpu.memory_space<smem>>
    return
  }
}

</mosaic_0001>

<sc_bundles>
// kernel: kernel.5.cloned.1.call-start
scs
__scs_entry_jumppad:
0x0: {  	(pc) =	sbr.rel $0x88, $3  }
0x1: {  	(tag) =	ssettag $0x0;
	lr =	simm.s32 $0x1  }
0x2: {  	[smem:$0x3F9F] =	sst lr;
	_ =	strace $0xD0000000  }
0x3: {  	_ = 	snop  }
0x4: {  	_ = 	snop  }
0x5: {  	_ = 	snop  }
0x6: {  	_ = 	snop  }
0x7: {  	_ = 	snop  }
__scs_overlays_trampoline_lowered:
0x8: {  	[smem:$0x3FAE] =	sst s0  }
0x9: {  	[smem:$0x3FAF] =	sst s1  }
0xa: {  	[smem:$0x3FB0] =	sst s2  }
0xb: {  	[smem:$0x3FB1] =	sst s3  }
0xc: {  	[smem:$0x3FB2] =	sst s4  }
0xd: {  	[smem:$0x3FB3] =	sst s5  }
0xe: {  	[smem:$0x3FB4] =	sst s6  }
0xf: {  	[smem:$0x3FB5] =	sst s7  }
0x10: {  	[smem:$0x3FB6] =	sst s8  }
0x11: {  	[smem:$0x3FB7] =	sst s9;
	s0 =	simm.s32 @!p0 $0x0  }
0x12: {  	s1 =	sld [smem:$0x3F9D];
	s0 =	simm.s32 @p0 $0x1  }
0x13: {  	[smem:$0x3FB8] =	sst s0;
	s0 =	simm.s32 @!p1 $0x0  }
0x14: {  	s2 =	sld [smem:$0x3F9C];
	s0 =	simm.s32 @p1 $0x1  }
0x15: {  	[smem:$0x3FB9] =	sst s0;
	s0 =	simm.s32 @!p2 $0x0  }
0x16: {  	s3 =	sld [smem:$0x3FDB];
	s0 =	simm.s32 @p2 $0x1  }
0x17: {  	s4 =	simm.s32 $0x1BF5;
	[smem:$0x3FBB] =	sst s0  }
0x18: {  	s0 =	sld [smem:$0x3F9E];
	_ =	swait.ge [sflag:s4], $0x0  }
0x19: {  	s7 =	sld [smem:$0x3F9F]  }
0x1a: {  	s8 =	sadd.s32 $0xFFFFE003, lr  }
0x1b: {  	s9 =	sadd.s32 $0xFFFFFEF7, lr;
	s5 =	simm.s32 $0xFFFFFFFF;
	p2 =	slt.u32 s8, $0xFFFFF086  }
0x1c: {  	p1 =	slt.u32 s9, $0xF7A;
	s5 =	simm.s32 @!p2 $0x0  }
0x1d: {  	s5 =	simm.s32 @p1 $0x1;
	p0 =	seq.s32 s7, s2  }
0x1e: {  	s7 =	smul.u32 @!p0 $0xF7A, s2;
	p2 =	seq.s32 @!p0 s5, $0x0  }
0x1f: {  	s9 =	smul.u32 $0xF7A, s1;
	s8 =	simm.s32 @!p0 $0x1BF5;
	p2 =	por !p2, p0  }
0x20: {  	[sflag:s8] =	ssyncset.s32 @!p0 $0xFFFFF086;
	s6 =	sadd.s32 @!p0 s3, s7;
	s7 =	simm.s32 @!p0 $0x108  }
0x21: {  	s3 =	sadd.s32 s3, s9;
	s6 =	sadd.s32 @!p0 $0x88, s6;
	s7 =	simm.s32 @p2 $0x1082  }
0x22: {  	[simem:s7], [sflag:s8] =	dma.local @!p0 [hbm:s6], $0xF7A  }
0x23: {  	s9 =	sor.u32 $0xD0000000, s2;
	s6 =	simm.s32 $0x108;
	_ =	swait.ge @!p0 [sflag:s8], $0x0  }
0x24: {  	s3 =	sadd.s32 $0x88, s3;
	s6 =	simm.s32 @!p1 $0x1082;
	[sflag:s4] =	ssyncset.s32 $0xFFFFF086  }
0x25: {  	[simem:s6], [sflag:s4] =	dma.local [hbm:s3], $0xF7A  }
0x26: {  	[smem:$0x3F9F] =	sst s1;
	(tag) =	ssettag s2;
	_ =	strace s9  }
0x27: {  	s1 =	sld [smem:$0x3FAF]  }
0x28: {  	s2 =	sld [smem:$0x3FB0]  }
0x29: {  	s4 =	sld [smem:$0x3FB2]  }
0x2a: {  	p0 =	seq.s32 s5, $0x0;
	s5 =	sld [smem:$0x3FB3]  }
0x2b: {  	s6 =	sld [smem:$0x3FB4]  }
0x2c: {  	s7 =	sld [smem:$0x3FB5]  }
0x2d: {  	s3 =	simm.s32 $0x108;
	s8 =	sld [smem:$0x3FB6]  }
0x2e: {  	s3 =	simm.s32 @!p0 $0x1082;
	s9 =	sld [smem:$0x3FB7]  }
0x2f: {  	lr =	sadd.s32 s0, s3;
	s0 =	sld [smem:$0x3FAE]  }
0x30: {  	s3 =	sld [smem:$0x3FB1]  }
0x31: {  	[smem:$0x3FBA] =	sst s10  }
0x32: {  	s10 =	sld [smem:$0x3FB8];
	_ =	sdelay $0x3  }
0x33: {  	p0 =	seq.s32 s10, $0x1;
	s10 =	sld [smem:$0x3FBA];
	_ =	sdelay $0x3  }
0x34: {  	[smem:$0x3FBA] =	sst s10  }
0x35: {  	s10 =	sld [smem:$0x3FB9];
	_ =	sdelay $0x3  }
0x36: {  	p1 =	seq.s32 s10, $0x1;
	s10 =	sld [smem:$0x3FBA];
	_ =	sdelay $0x3  }
0x37: {  	[smem:$0x3FBA] =	sst s10  }
0x38: {  	s10 =	sld [smem:$0x3FBB]  }
0x39: {  	_ = 	snop;
	(pc) =	sbr.ind lr, $3  }
0x3a: {  	_ = 	snop  }
0x3b: {  	_ = 	snop  }
0x3c: {  	p2 =	seq.s32 s10, $0x1;
	s10 =	sld [smem:$0x3FBA]  }
0x3d: {  	_ =	shalt  }
0x3e: {  	_ =	shalt  }
0x3f: {  	_ =	shalt  }
0x40: {  	_ =	shalt  }
0x41: {  	_ =	shalt  }
0x42: {  	_ =	shalt  }
0x43: {  	_ =	shalt  }
0x44: {  	_ =	shalt  }
0x45: {  	_ =	shalt  }
0x46: {  	_ =	shalt  }
0x47: {  	_ =	shalt  }
0x48: {  	_ =	shalt  }
0x49: {  	_ =	shalt  }
0x4a: {  	_ =	shalt  }
0x4b: {  	_ =	shalt  }
0x4c: {  	_ =	shalt  }
0x4d: {  	_ =	shalt  }
0x4e: {  	_ =	shalt  }
0x4f: {  	_ =	shalt  }
0x50: {  	_ =	shalt  }
0x51: {  	_ =	shalt  }
0x52: {  	_ =	shalt  }
0x53: {  	_ =	shalt  }
0x54: {  	_ =	shalt  }
0x55: {  	_ =	shalt  }
0x56: {  	_ =	shalt  }
0x57: {  	_ =	shalt  }
0x58: {  	_ =	shalt  }
0x59: {  	_ =	shalt  }
0x5a: {  	_ =	shalt  }
0x5b: {  	_ =	shalt  }
0x5c: {  	_ =	shalt  }
0x5d: {  	_ =	shalt  }
0x5e: {  	_ =	shalt  }
0x5f: {  	_ =	shalt  }
0x60: {  	_ =	shalt  }
0x61: {  	_ =	shalt  }
0x62: {  	_ =	shalt  }
0x63: {  	_ =	shalt  }
0x64: {  	_ =	shalt  }
0x65: {  	_ =	shalt  }
0x66: {  	_ =	shalt  }
0x67: {  	_ =	shalt  }
0x68: {  	_ =	shalt  }
0x69: {  	_ =	shalt  }
0x6a: {  	_ =	shalt  }
0x6b: {  	_ =	shalt  }
0x6c: {  	_ =	shalt  }
0x6d: {  	_ =	shalt  }
0x6e: {  	_ =	shalt  }
0x6f: {  	_ =	shalt  }
0x70: {  	_ =	shalt  }
0x71: {  	_ =	shalt  }
0x72: {  	_ =	shalt  }
0x73: {  	_ =	shalt  }
0x74: {  	_ =	shalt  }
0x75: {  	_ =	shalt  }
0x76: {  	_ =	shalt  }
0x77: {  	_ =	shalt  }
0x78: {  	_ =	shalt  }
0x79: {  	_ =	shalt  }
0x7a: {  	_ =	shalt  }
0x7b: {  	_ =	shalt  }
0x7c: {  	_ =	shalt  }
0x7d: {  	_ =	shalt  }
0x7e: {  	_ =	shalt  }
0x7f: {  	_ =	shalt  }
0x80: {  	_ =	shalt  }
0x81: {  	_ =	shalt  }
0x82: {  	_ =	shalt  }
0x83: {  	_ =	shalt  }
0x84: {  	_ =	shalt  }
0x85: {  	_ =	shalt  }
0x86: {  	_ =	shalt  }
0x87: {  	_ =	shalt  }
.Lfunc_end0:
.L_simem_size_0:
called_computation_lowered:
.L_overlay_start_0:
0x88: {  	s2 =	sld [smem:$0x3FD9]  }
0x89: {  	s3 =	sld [smem:$0x3FFE];
	_ =	sdelay $0x1  }
0x8a: {  	s1 =	srdreg.scid  }
0x8b: {  	s0 =	sand.u32 $0x1, s1  }
0x8c: {  	s14 =	sshll.u32 s0, $0xA;
	s2 =	sadd.s32 s3, s2  }
0x8d: {  	s2 =	sadd.s32 s2, s14  }
0x8e: {  	[smem:$0x3FC6] =	sst s2  }
0x8f: {  	_ = 	snop  }
0x90: {  	s2 =	sld [smem:$0x3FD0];
	_ =	sdelay $0x2  }
0x91: {  	s15 =	simm.s32 $0xA;
	s4 =	simm.s32 $0x10  }
0x92: {  	[smem:s4], [sflag:s15] =	dma.local [hbm:s2], $0x1  }
0x93: {  	_ =	swait.eq [sflag:s15], $0x1  }
0x94: {  	[sflag:s15] =	ssyncset.done $0x0  }
0x95: {  	s16 =	sld [smem:$0x10];
	[sflag:s15] =	ssyncadd.s32 $0xFFFFFFFF  }
0x96: {  	s17 =	sld [smem:$0x11];
	(tm) =	ssettm $0x1  }
0x97: {  	s18 =	sld [smem:$0x3FFB];
	_ =	sdelay $0x3  }
0x98: {  	_ =	strace s18  }
0x99: {  	s4 =	sld [smem:$0x3FFC];
	_ =	sdelay $0x3  }
0x9a: {  	_ =	strace s4  }
0x9b: {  	s4 =	sld [smem:$0x3FFD];
	_ =	sdelay $0x3  }
0x9c: {  	_ =	strace s4  }
0x9d: {  	_ =	strace $0x8FFFFFFF  }
0x9e: {  	s19 =	sld [smem:$0x3FDB];
	_ =	sdelay $0x1  }
0x9f: {  	s5 =	simm.s32 $_scs_section_size  }
0xa0: {  	s6 =	simm.s32 $_size__tile_overlayer_lowered;
	s7 =	simm.s32 $_tile_overlayer_lowered  }
0xa1: {  	s22 =	simm.s32 $0x1BFF;
	s21 =	sshll.u32 s7, $0x1;
	s4 =	sadd.s32 s5, s19  }
0xa2: {  	s8 =	simm.s32 $0x0;
	s20 =	sshll.u32 s6, $0x1;
	s6 =	sadd.s32 s21, s4  }
0xa3: {  	[timem:s8], [sflag:s22] =	dma.local [hbm:s6], s20  }
0xa4: {  	_ =	swait.ge [sflag:s22], s20  }
0xa5: {  	s5 =	ssub.s32 $0x0, s20;
	[sflag:s22] =	ssyncset.done $0x0  }
0xa6: {  	[sflag:s22] =	ssyncadd.s32 s5;
	_ =	sdelay $0x1  }
0xa7: {  	s23 =	simm.s32 $0x1B8B  }
0xa8: {  	_ =	swait.ge [sflag:s23], $0x1  }
0xa9: {  	[sflag:s23] =	ssyncset.done $0x0  }
0xaa: {  	s25 =	simm.s32 $0x1B8E;
	s24 =	sld [smem:$0x3FFE];
	[sflag:s23] =	ssyncadd.s32 $0xFFFFFFFF  }
0xab: {  	s26 =	simm.s32 $execute0_lowered;
	[smem:$0x3FD2] =	sst s25  }
0xac: {  	s6 =	sshll.u32 s26, $0x1;
	_ =	strace $0x80000046;
	[dreg:$0x1] =	wrdreg $0xFFFFFFFF  }
0xad: {  	s28 =	simm.s32 $_size_execute0_lowered;
	s4 =	sadd.s32 s4, s6;
	[dreg:$0x0] =	wrdreg $0x0  }
0xae: {  	s6 =	sshll.u32 s28, $0x1;
	[dreg:$0x2] =	wrdreg s4  }
0xaf: {  	[dreg:$0x3] =	wrdreg s6  }
0xb0: {  	[dreg:$0x4] =	wrdreg $0xC0  }
0xb1: {  	_ =	task [dreg:s8], $0x5FFFF  }
0xb2: {  	[dreg:$0x1] =	wrdreg $0xFFFFFFFF  }
0xb3: {  	[dreg:$0x0] =	wrdreg $0x60  }
0xb4: {  	[dreg:$0x2] =	wrdreg s24  }
0xb5: {  	[dreg:$0x3] =	wrdreg s16  }
0xb6: {  	[dreg:$0x4] =	wrdreg s17  }
0xb7: {  	[dreg:$0x5] =	wrdreg $0x9  }
0xb8: {  	_ =	task.clear_ibuf [dreg:s8], $0x6FFFF;
	_ =	strace $0x90000046  }
0xb9: {  	s29 =	simm.s32 $0x9;
	_ =	strace $0x80000048  }
0xba: {  	_ =	swait.ge [sflag:s29], $0x1  }
0xbb: {  	[sflag:s29] =	ssyncadd.s32 $0xFFFFFFFF  }
0xbc: {  	_ =	strace $0x90000048  }
0xbd: {  	_ =	sfence  }
0xbe: {  	s30 =	sld [smem:$0x0];
	_ =	sdelay $0x2  }
0xbf: {  	s31 =	sshll.u32 s1, $0xD;
	s1 =	sshrl.u32 s1, $0x2  }
0xc0: {  	s3 =	sand.u32 $0x4000, s31;
	s1 =	sadd.s32 s1, s30  }
0xc1: {  	s0 =	sor.u32 s3, s0;
	s1 =	sshll.u32 s1, $0x11  }
0xc2: {  	s0 =	sor.u32 s1, s0  }
0xc3: {  	s0 =	sadd.s32 $0x8F2B, s0  }
0xc4: {  	[sflag:s0] =	ssyncadd.remote.s32 $0x1  }
0xc5: {  	_ =	sfence.sel $0xFFFF  }
0xc6: {  	[dreg:$0x0] =	wrdreg $0xFFFFFFFF;
	(pc) =	sbr.abs _section_cstart, $3  }
0xc7: {  	[dreg:$0x1] =	wrdreg $0xFFFFFFFF  }
0xc8: {  	_ =	task.clear_ibuf [dreg:s8], $0x2FFFF;
	_ =	strace $0x9FFFFFFF  }
0xc9: {  	(tm) =	ssettm $0x7FFFFFFF  }
tec
execute0_lowered:
.L_overlay_start_1:
0x0: {  	(tag) =	ssettag $0x1  }
0x1: {  	s3 =	rddreg [dreg:$0x0]  }
0x2: {  	s4 =	rddreg [dreg:$0x1]  }
0x3: {  	s5 =	rddreg [dreg:$0x2]  }
0x4: {  	s0 =	rddreg [dreg:$0x3];
	s6 =	srdreg.scid  }
0x5: {  	s2 =	simm.s32 $0x0;
	s1 =	stileid.u32;
	s11 =	simm.s32 $0x2800  }
0x6: {  	s12 =	simm.s32 $0x3000;
	s13 =	simm.s32 $0x3400;
	s6 =	sand.u32 $0x1, s6  }
0x7: {  	s14 =	simm.s32 $0x0;
	s7 =	sshll.u32 s1, $0xB;
	s8 =	sshll.u32 s6, $0xA  }
0x8: {  	[smem:$0x7FF] =	sst s2;
	s6 =	ssub.s32 $0x2, s6;
	s7 =	sor.u32 s8, s7  }
0x9: {  	_ =	strace $0x80000047;
	s10 =	sshrl.u32 s6, $0x1;
	s8 =	sadd.s32 s7, s3  }
0xa: {  	s9 =	sshrl.u32 s7, $0x3;
	s10 =	ssub.s32 s6, s10;
	s31 =	sshrl.u32 s7, $0x2  }
0xb: {  	s9 =	sadd.s32 s9, s3;
	s3 =	sadd.s32 $0xE00, s8;
	s4 =	sadd.s32 s4, s31  }
0xc: {  	s5 =	sadd.s32 s5, s31;
	s8 =	smax.u32 s10, $0x1;
	s10 =	simm.s32 $0x2000  }
0xd: {  	v0 =	vimm.s32 $0x0;
	v1 =	vimm.f32 $1.000000000e+00;
	v2 =	vimm.f32 $0.0e+00;
	s6 =	sadd.s32 $0x8E00, s9;
	s7 =	sadd.s32 $0x9E00, s9;
	s9 =	simm.s32 $0x1  }
.LBB2_1:
0xe: {  	[tilespmem:s2], [sflag:$0x1] =	stream.linear.gather [hbm4b:s3+s2], $0x2000, $0x38;
	[tilespmem:$0x3800] =	vst v63  }
0xf: {  	s16 =	simm.s32 $0x0;
	_ =	swait.ge [sflag:s9], $0x2000  }
0x10: {  	s15 =	sand.u32 $0x70, s2;
	s16 =	sand.u32 $0x3FFFFC00, s16;
	[sflag:s9] =	ssyncset.done $0x0  }
0x11: {  	s16 =	sor.u32 s15, s16;
	[sflag:s9] =	ssyncadd.s32 $0xFFFFE000  }
0x12: {  	v3 =	vld [tilespmem:s16+$0x80]  }
0x13: {  	v4 =	vld [tilespmem:s16+$0x0];
	_ =	sdelay $0x2  }
0x14: {  	v5 =	vld [tilespmem:s16+$0x100]  }
0x15: {  	vm0 =	vlt.f32 v3, $-Inf;
	vm1 =	vgt.f32 v3, $-Inf  }
0x16: {  	vm13 =	vgt.f32 v3, v4;
	vm11 =	vmor vm1, vm0  }
0x17: {  	v6 =	vld [tilespmem:s16+$0x180];
	vm14 =	vmneg vm13;
	v7 =	vnsel vm11, $0xFF800000, v3  }
0x18: {  	v7 =	vsel vm14, v7, v4  }
0x19: {  	v8 =	vsel vm14, v4, v3;
	vm12 =	vgt.f32 v5, v7  }
0x1a: {  	v9 =	vld [tilespmem:s16+$0x200];
	vm6 =	vgt.f32 v5, v8;
	v7 =	vsel vm12, v5, v7  }
0x1b: {  	v7 =	vsel vm6, v8, v7  }
0x1c: {  	v8 =	vsel vm6, v5, v8;
	vm9 =	vgt.f32 v6, v7  }
0x1d: {  	v10 =	vld [tilespmem:s16+$0x280];
	vm4 =	vgt.f32 v6, v8;
	v7 =	vsel vm9, v6, v7  }
0x1e: {  	v7 =	vsel vm4, v8, v7  }
0x1f: {  	v11 =	vld [tilespmem:s16+$0x300];
	v8 =	vsel vm4, v6, v8;
	vm7 =	vgt.f32 v9, v7  }
0x20: {  	vm3 =	vgt.f32 v9, v8;
	v7 =	vsel vm7, v9, v7  }
0x21: {  	v12 =	vld [tilespmem:s16+$0x380];
	v13 =	vsel vm3, v9, v8;
	v7 =	vsel vm3, v8, v7  }
0x22: {  	vm2 =	vgt.f32 v10, v13;
	vm10 =	vgt.f32 v10, v7  }
0x23: {  	v8 =	vsel vm2, v10, v13;
	v7 =	vsel vm10, v10, v7  }
0x24: {  	vm0 =	vgt.f32 v11, v8;
	v7 =	vsel vm2, v13, v7  }
0x25: {  	v13 =	vsel vm0, v11, v8;
	vm8 =	vgt.f32 v11, v7  }
0x26: {  	vm5 =	vgt.f32 v12, v13;
	v7 =	vsel vm8, v11, v7  }
0x27: {  	vm1 =	vmneg vm5;
	v7 =	vsel vm0, v8, v7  }
0x28: {  	v8 =	vsel vm1, v13, v12;
	vm5 =	vgt.f32 v12, v7  }
0x29: {  	v4 =	vsub.f32 v4, v8;
	v7 =	vsel vm5, v12, v7  }
0x2a: {  	v5 =	vsub.f32 v5, v8;
	v7 =	vsel vm1, v7, v13  }
0x2b: {  	v4 =	vmul.f32 $1.442695020e+00, v4;
	v7 =	vsub.f32 v7, v8  }
0x2c: {  	v5 =	vmul.f32 $1.442695020e+00, v5  }
0x2d: {  	(erf) = vpow2.f32 v4;
	v4 =	vmul.f32 $1.442695020e+00, v7  }
0x2e: {  	v3 =	vsub.f32 v3, v8;
	(erf) = vpow2.f32 v5  }
0x2f: {  	(erf) = vpow2.f32 v4  }
0x30: {  	vm11 =	vmand vm14, vm11;
	v3 =	vmul.f32 $1.442695020e+00, v3;
	v5 =	vsub.f32 v10, v8  }
0x31: {  	v7 =	vsub.f32 v9, v8;
	v9 =	vsel vm11, $0x1, v0;
	v4 =	vsub.f32 v6, v8  }
0x32: {  	v6 =	vsub.f32 v11, v8;
	v5 =	vmul.f32 $1.442695020e+00, v5;
	(erf) = vpow2.f32 v3  }
0x33: {  	v7 =	vmul.f32 $1.442695020e+00, v7;
	v3 =	vsel vm13, $0x1, v0;
	v4 =	vmul.f32 $1.442695020e+00, v4  }
0x34: {  	v6 =	vmul.f32 $1.442695020e+00, v6;
	(erf) = vpow2.f32 v5;
	v5 =	vsel vm12, $0x2, v9  }
0x35: {  	(erf) = vpow2.f32 v4;
	v4 =	vsel vm6, $0x2, v3;
	v3 =	vsel vm6, v3, v5  }
0x36: {  	v5 =	vsub.f32 v12, v8;
	v3 =	vsel vm9, $0x3, v3;
	v22 =	vpop (erf)  }
0x37: {  	(erf) = vpow2.f32 v6;
	v6 =	vsel vm4, $0x3, v4;
	v3 =	vsel vm4, v4, v3;
	v20 =	vpop (erf)  }
0x38: {  	(erf) = vpow2.f32 v7;
	v5 =	vmul.f32 $1.442695020e+00, v5;
	v3 =	vsel vm7, $0x4, v3;
	v7 =	vpop (erf)  }
0x39: {  	v4 =	vsel vm3, $0x4, v6;
	v3 =	vsel vm3, v6, v3;
	v6 =	vadd.f32 $1.000000000e+00, v7  }
0x3a: {  	(erf) = vpow2.f32 v5  }
0x3b: {  	v24 =	vpop (erf);
	(erf) = vrcp.f32 v6  }
0x3c: {  	v5 =	vadd.f32 v24, v22  }
0x3d: {  	v18 =	vimm.f32 $0.0e+00;
	v17 =	vimm.f32 $0.0e+00;
	v8 =	vsel vm2, $0x5, v4  }
0x3e: {  	v3 =	vsel vm10, $0x5, v3;
	v7 =	vsel vm0, $0x6, v8;
	v23 =	vpop (erf);
	v5 =	vadd.f32 v5, v20  }
0x3f: {  	v14 =	vimm.f32 $0.0e+00;
	v3 =	vsel vm2, v4, v3;
	v4 =	vnsel vm1, $0x7, v7;
	v26 =	vpop (erf)  }
0x40: {  	v15 =	vimm.f32 $0.0e+00;
	vm10 =	veq.s32 v4, $0x0;
	v19 =	vpop (erf);
	v5 =	vadd.f32 v5, v26  }
0x41: {  	s31 =	simm.s32 $0x0;
	v13 =	vsel vm1, $0x0, v1;
	v3 =	vsel vm8, $0x6, v3;
	v10 =	vsel vm10, $0x3F800000, v2;
	v25 =	vpop (erf)  }
0x42: {  	s16 =	sand.u32 $0xFFFFFF00, s31;
	v3 =	vsel vm0, v8, v3;
	vm11 =	veq.s32 v4, $0x1;
	v5 =	vadd.f32 v5, v25  }
0x43: {  	s15 =	sor.u32 s15, s16;
	vm12 =	veq.s32 v4, $0x2;
	vm13 =	veq.s32 v4, $0x3;
	v3 =	vsel vm5, $0x7, v3;
	v21 =	vpop (erf)  }
0x44: {  	[tilespmem:s15+$0x2800] =	vst v4;
	v7 =	vsel vm1, v3, v7;
	v12 =	vadd.f32 v10, v2;
	v5 =	vadd.f32 v5, v23;
	v10 =	vpop (erf)  }
0x45: {  	s18 =	simm.s32 $0x80;
	s17 =	simm.s32 $0x10;
	vm14 =	veq.s32 v4, $0x4;
	vm15 =	veq.s32 v4, $0x5;
	[tilespmem:s15+$0x2880] =	vst v7;
	v11 =	vsub.f32 $1.000000000e+00, v10  }
0x46: {  	s18 =	sand.u32 $0x3FFFFC00, s18;
	s16 =	sand.u32 $0x70, s17;
	vm0 =	vmand vm0, vm1;
	v6 =	vsel vm13, $0x3F800000, v2;
	v5 =	vadd.f32 v5, v19;
	[tilespmem:s15+$0x2000] =	vst v10  }
0x47: {  	s20 =	sor.u32 s16, s18;
	v4 =	vsel vm15, $0x3F800000, v2;
	v3 =	vsel vm11, $0x3F800000, v2;
	v6 =	vadd.f32 v6, v2;
	[tilespmem:s15+$0x2080] =	vst v11  }
0x48: {  	v9 =	vadd.f32 v3, v2;
	v3 =	vsel vm12, $0x3F800000, v2;
	v10 =	vadd.f32 v5, v21;
	v27 =	vld [tilespmem:s20+$0x80]  }
0x49: {  	v4 =	vadd.f32 v4, v2;
	v7 =	vsel vm0, $0x3F800000, v2;
	v8 =	vadd.f32 v3, v2;
	v28 =	vld [tilespmem:s20+$0x0]  }
0x4a: {  	v3 =	vsel vm14, $0x3F800000, v2;
	v7 =	vadd.f32 v7, v2;
	(erf) = vrcp.f32 v10  }
0x4b: {  	v16 =	vimm.f32 $0.0e+00;
	v3 =	vadd.f32 v3, v2;
	v5 =	vadd.f32 v13, v2  }
0x4c: {  	s18 =	simm.s32 $0x2;
	v13 =	vimm.f32 $0.0e+00;
	s15 =	simm.s32 $0x1;
	v11 =	vimm.f32 $0.0e+00;
	v29 =	vld [tilespmem:s20+$0x100];
	v10 =	vimm.f32 $0.0e+00  }
.LBB2_2:
0x4d: {  	p0 =	sne.s32 s18, $0x3F;
	vm0 =	vlt.f32 v27, $-Inf;
	vm1 =	vgt.f32 v27, $-Inf;
	s19 =	smov.u32 s18;
	s18 =	sadd.s32 $0x1, s18  }
0x4e: {  	v30 =	vld [tilespmem:s20+$0x180];
	vm2 =	vgt.f32 v27, v28;
	vm0 =	vmor vm1, vm0  }
0x4f: {  	vm1 =	vmneg vm2;
	v31 =	vnsel vm0, $0xFF800000, v27;
	v32 =	vsel vm2, $0x1, v0  }
0x50: {  	v33 =	vld [tilespmem:s20+$0x200];
	v31 =	vsel vm1, v31, v28;
	vm0 =	vmand vm1, vm0;
	v34 =	vsel vm1, v28, v27  }
0x51: {  	v35 =	vsel vm0, $0x1, v0;
	vm0 =	vgt.f32 v29, v34;
	vm1 =	vgt.f32 v29, v31  }
0x52: {  	v36 =	vld [tilespmem:s20+$0x280];
	v31 =	vsel vm1, v29, v31;
	v35 =	vsel vm1, $0x2, v35;
	v37 =	vsel vm0, v29, v34  }
0x53: {  	v31 =	vsel vm0, v34, v31;
	v34 =	vsel vm0, $0x2, v32;
	vm3 =	vgt.f32 v30, v37;
	v38 =	vpop (erf)  }
0x54: {  	v39 =	vld [tilespmem:s20+$0x300];
	vm5 =	vgt.f32 v30, v31;
	v40 =	vsel vm3, v30, v37;
	v41 =	vsel vm3, $0x3, v34  }
0x55: {  	v22 =	vmul.f32 v38, v22;
	v31 =	vsel vm5, v30, v31;
	vm4 =	vgt.f32 v33, v40  }
0x56: {  	v24 =	vmul.f32 v38, v24;
	v42 =	vld [tilespmem:s20+$0x380];
	v31 =	vsel vm3, v37, v31;
	v37 =	vsel vm4, v33, v40  }
0x57: {  	v43 =	vsel vm4, $0x4, v41;
	vm6 =	vgt.f32 v33, v31;
	vm2 =	vgt.f32 v36, v37  }
0x58: {  	v32 =	vsel vm0, v32, v35;
	v31 =	vsel vm6, v33, v31;
	v35 =	vsel vm2, v36, v37  }
0x59: {  	v20 =	vmul.f32 v38, v20;
	v31 =	vsel vm4, v40, v31;
	vm0 =	vgt.f32 v39, v35  }
0x5a: {  	v26 =	vmul.f32 v38, v26;
	vm7 =	vgt.f32 v36, v31;
	v40 =	vsel vm0, v39, v35  }
0x5b: {  	v18 =	vadd.f32 v20, v18;
	v31 =	vsel vm7, v36, v31;
	vm1 =	vgt.f32 v42, v40  }
0x5c: {  	v17 =	vadd.f32 v26, v17;
	v20 =	vsel vm2, v37, v31;
	vm1 =	vmneg vm1  }
0x5d: {  	v25 =	vmul.f32 v38, v25;
	vm8 =	vgt.f32 v39, v20;
	v26 =	vsel vm1, v40, v42  }
0x5e: {  	v20 =	vsel vm8, v39, v20;
	v28 =	vsub.f32 v28, v26;
	v30 =	vsub.f32 v30, v26  }
0x5f: {  	v23 =	vmul.f32 v38, v23;
	v29 =	vsub.f32 v29, v26;
	v20 =	vsel vm0, v35, v20  }
0x60: {  	v14 =	vadd.f32 v25, v14;
	vm9 =	vgt.f32 v42, v20;
	v28 =	vmul.f32 $1.442695020e+00, v28  }
0x61: {  	v13 =	vadd.f32 v23, v13;
	v25 =	vmul.f32 $1.442695020e+00, v29;
	v20 =	vsel vm9, v42, v20  }
0x62: {  	v19 =	vmul.f32 v38, v19;
	v20 =	vsel vm1, v20, v40;
	(erf) = vpow2.f32 v28  }
0x63: {  	v15 =	vadd.f32 v24, v15;
	v20 =	vsub.f32 v20, v26;
	(erf) = vpow2.f32 v25  }
0x64: {  	v21 =	vmul.f32 v38, v21;
	v23 =	vsub.f32 v36, v26;
	v24 =	vsub.f32 v39, v26  }
0x65: {  	v11 =	vadd.f32 v19, v11;
	v25 =	vsub.f32 v42, v26;
	v20 =	vmul.f32 $1.442695020e+00, v20  }
0x66: {  	v16 =	vadd.f32 v22, v16;
	v19 =	vsub.f32 v27, v26;
	v23 =	vmul.f32 $1.442695020e+00, v23  }
0x67: {  	v10 =	vadd.f32 v21, v10;
	v22 =	vsub.f32 v33, v26;
	(erf) = vpow2.f32 v20  }
0x68: {  	v19 =	vmul.f32 $1.442695020e+00, v19;
	v21 =	vmul.f32 $1.442695020e+00, v25;
	v20 =	vsel vm5, $0x3, v32  }
0x69: {  	v26 =	vmul.f32 $1.442695020e+00, v22;
	v25 =	vsel vm2, $0x5, v43;
	v20 =	vsel vm3, v34, v20  }
0x6a: {  	v27 =	vmul.f32 $1.442695020e+00, v30;
	v28 =	vsel vm6, $0x4, v20;
	(erf) = vpow2.f32 v19  }
0x6b: {  	s20 =	sshll.u32 s15, $0x5;
	s15 =	smov.u32 s19;
	v24 =	vmul.f32 $1.442695020e+00, v24;
	v19 =	vsel vm4, v41, v28;
	v22 =	vpop (erf);
	(erf) = vpow2.f32 v23  }
0x6c: {  	s19 =	sand.u32 $0xFFFFFF00, s20;
	v19 =	vsel vm7, $0x5, v19;
	v23 =	vsel vm0, $0x6, v25;
	v20 =	vpop (erf);
	(erf) = vpow2.f32 v27  }
0x6d: {  	s19 =	sor.u32 s16, s19;
	v19 =	vsel vm2, v43, v19;
	v27 =	vnsel vm1, $0x7, v23;
	(erf) = vpow2.f32 v24  }
0x6e: {  	v19 =	vsel vm8, $0x6, v19;
	vm2 =	veq.s32 v27, $0x0;
	[tilespmem:s19+$0x2800] =	vst v27;
	(erf) = vpow2.f32 v26  }
0x6f: {  	vm3 =	veq.s32 v27, $0x1;
	v19 =	vsel vm0, v25, v19;
	(erf) = vpow2.f32 v21  }
0x70: {  	vm4 =	veq.s32 v27, $0x2;
	vm5 =	veq.s32 v27, $0x3;
	v19 =	vsel vm9, $0x7, v19;
	v21 =	vpop (erf)  }
0x71: {  	v19 =	vsel vm1, v19, v23;
	v23 =	vsel vm3, $0x3F800000, v2;
	v21 =	vadd.f32 $1.000000000e+00, v21  }
0x72: {  	v25 =	vsel vm5, $0x3F800000, v2;
	v9 =	vadd.f32 v23, v9;
	[tilespmem:s19+$0x2880] =	vst v19;
	v19 =	vsel vm4, $0x3F800000, v2  }
0x73: {  	vm3 =	veq.s32 v27, $0x4;
	v8 =	vadd.f32 v19, v8;
	(erf) = vrcp.f32 v21;
	v24 =	vpop (erf)  }
0x74: {  	v6 =	vadd.f32 v25, v6;
	vm4 =	veq.s32 v27, $0x5;
	v29 =	vadd.f32 v24, v22;
	v23 =	vpop (erf)  }
0x75: {  	v30 =	vsel vm3, $0x3F800000, v2;
	v21 =	vsel vm2, $0x3F800000, v2;
	v27 =	vsel vm4, $0x3F800000, v2;
	v26 =	vpop (erf)  }
0x76: {  	vm0 =	vmand vm0, vm1;
	v3 =	vadd.f32 v30, v3;
	v28 =	vadd.f32 v29, v20;
	v19 =	vpop (erf)  }
0x77: {  	v12 =	vadd.f32 v21, v12;
	v4 =	vadd.f32 v27, v4;
	v29 =	vsel vm0, $0x3F800000, v2;
	v25 =	vpop (erf)  }
0x78: {  	v7 =	vadd.f32 v29, v7;
	v27 =	vadd.f32 v28, v26;
	v28 =	vsel vm1, $0x0, v1;
	v21 =	vpop (erf)  }
0x79: {  	v5 =	vadd.f32 v28, v5  }
0x7a: {  	v27 =	vadd.f32 v27, v25;
	_ =	sdelay $0x1  }
0x7b: {  	v27 =	vadd.f32 v27, v23;
	v28 =	vpop (erf)  }
0x7c: {  	s17 =	sadd.s32 $0x10, s17;
	s20 =	sshll.u32 s15, $0x7;
	[tilespmem:s19+$0x2000] =	vst v28;
	v28 =	vsub.f32 $1.000000000e+00, v28  }
0x7d: {  	s16 =	sand.u32 $0x70, s17;
	s20 =	sand.u32 $0x3FFFFC00, s20;
	v29 =	vadd.f32 v27, v19  }
0x7e: {  	s20 =	sor.u32 s16, s20;
	[tilespmem:s19+$0x2080] =	vst v28  }
.Ltmp0:
0x7f: {  	v27 =	vld [tilespmem:s20+$0x80];
	v29 =	vadd.f32 v29, v21;
	(pc) =	sbr.rel @p0 .LBB2_2-.Ltmp0, $3  }
0x80: {  	v28 =	vld [tilespmem:s20+$0x0]  }
0x81: {  	(erf) = vrcp.f32 v29;
	_ =	sdelay $0x1  }
0x82: {  	v29 =	vld [tilespmem:s20+$0x100]  }
0x83: {  	vm0 =	vlt.f32 v27, $-Inf;
	vm1 =	vgt.f32 v27, $-Inf  }
0x84: {  	vm2 =	vgt.f32 v27, v28;
	vm4 =	vmor vm1, vm0  }
0x85: {  	v30 =	vld [tilespmem:s20+$0x180];
	vm9 =	vmneg vm2;
	v31 =	vnsel vm4, $0xFF800000, v27  }
0x86: {  	v31 =	vsel vm9, v31, v28  }
0x87: {  	v32 =	vsel vm9, v28, v27;
	vm5 =	vgt.f32 v29, v31  }
0x88: {  	v33 =	vld [tilespmem:s20+$0x200];
	vm3 =	vgt.f32 v29, v32;
	v31 =	vsel vm5, v29, v31  }
0x89: {  	v31 =	vsel vm3, v32, v31  }
0x8a: {  	v32 =	vsel vm3, v29, v32;
	vm8 =	vgt.f32 v30, v31  }
0x8b: {  	v34 =	vld [tilespmem:s20+$0x280];
	vm7 =	vgt.f32 v30, v32;
	v31 =	vsel vm8, v30, v31  }
0x8c: {  	v31 =	vsel vm7, v32, v31  }
0x8d: {  	v35 =	vld [tilespmem:s20+$0x300];
	v32 =	vsel vm7, v30, v32;
	vm12 =	vgt.f32 v33, v31  }
0x8e: {  	vm10 =	vgt.f32 v33, v32;
	v31 =	vsel vm12, v33, v31  }
0x8f: {  	v36 =	vld [tilespmem:s20+$0x380];
	v37 =	vsel vm10, v33, v32;
	v31 =	vsel vm10, v32, v31  }
0x90: {  	vm6 =	vgt.f32 v34, v37;
	vm14 =	vgt.f32 v34, v31  }
0x91: {  	v41 =	vsel vm6, v34, v37;
	v31 =	vsel vm14, v34, v31  }
0x92: {  	vm1 =	vgt.f32 v35, v41;
	v31 =	vsel vm6, v37, v31  }
0x93: {  	v42 =	vsel vm1, v35, v41;
	vm13 =	vgt.f32 v35, v31  }
0x94: {  	vm15 =	vgt.f32 v36, v42;
	v31 =	vsel vm13, v35, v31  }
0x95: {  	vm0 =	vmneg vm15;
	v31 =	vsel vm1, v41, v31  }
0x96: {  	v43 =	vsel vm0, v42, v36;
	vm11 =	vgt.f32 v36, v31  }
0x97: {  	v44 =	vsub.f32 v28, v43;
	v31 =	vsel vm11, v36, v31  }
0x98: {  	v45 =	vsub.f32 v29, v43;
	v31 =	vsel vm0, v31, v42  }
0x99: {  	v28 =	vmul.f32 $1.442695020e+00, v44;
	v31 =	vsub.f32 v31, v43  }
0x9a: {  	v46 =	vsub.f32 v27, v43;
	v29 =	vmul.f32 $1.442695020e+00, v45  }
0x9b: {  	(erf) = vpow2.f32 v28;
	v47 =	vmul.f32 $1.442695020e+00, v31  }
0x9c: {  	v27 =	vmul.f32 $1.442695020e+00, v46;
	(erf) = vpow2.f32 v29  }
0x9d: {  	v48 =	vsub.f32 v34, v43;
	v49 =	vsub.f32 v30, v43;
	(erf) = vpow2.f32 v47  }
0x9e: {  	(erf) = vpow2.f32 v27  }
0x9f: {  	v50 =	vsub.f32 v35, v43;
	v28 =	vmul.f32 $1.442695020e+00, v49;
	v29 =	vmul.f32 $1.442695020e+00, v48  }
0xa0: {  	v51 =	vsub.f32 v33, v43  }
0xa1: {  	v27 =	vmul.f32 $1.442695020e+00, v50;
	(erf) = vpow2.f32 v29  }
0xa2: {  	v52 =	vmul.f32 $1.442695020e+00, v51;
	(erf) = vpow2.f32 v28  }
0xa3: {  	v28 =	vpop (erf);
	(erf) = vpow2.f32 v27  }
0xa4: {  	v53 =	vpop (erf);
	(erf) = vpow2.f32 v52  }
0xa5: {  	v54 =	vpop (erf)  }
0xa6: {  	v55 =	vsub.f32 v36, v43;
	v56 =	vpop (erf)  }
0xa7: {  	v57 =	vpop (erf)  }
0xa8: {  	v30 =	vmul.f32 $1.442695020e+00, v55;
	v58 =	vadd.f32 v57, v53;
	_ =	sdelay $0x1  }
0xa9: {  	(erf) = vpow2.f32 v30;
	v59 =	vpop (erf);
	v33 =	vadd.f32 v58, v54  }
0xaa: {  	v60 =	vpop (erf)  }
0xab: {  	v35 =	vpop (erf);
	v33 =	vadd.f32 v33, v60  }
0xac: {  	v61 =	vpop (erf)  }
0xad: {  	v33 =	vadd.f32 v33, v61  }
0xae: {  	v31 =	vadd.f32 $1.000000000e+00, v56  }
0xaf: {  	vm4 =	vmand vm9, vm4;
	v33 =	vadd.f32 v33, v59  }
0xb0: {  	v38 =	vsel vm4, $0x1, v0;
	(erf) = vrcp.f32 v31  }
0xb1: {  	v39 =	vsel vm2, $0x1, v0;
	v38 =	vsel vm5, $0x2, v38;
	v33 =	vadd.f32 v33, v35  }
0xb2: {  	v63 =	vsel vm3, $0x2, v39;
	v62 =	vsel vm3, v39, v38;
	v37 =	vpop (erf)  }
0xb3: {  	v22 =	vmul.f32 v28, v22;
	v31 =	vsel vm8, $0x3, v62;
	v33 =	vadd.f32 v33, v37  }
0xb4: {  	v20 =	vmul.f32 v28, v20;
	v26 =	vmul.f32 v28, v26;
	v31 =	vsel vm7, v63, v31  }
0xb5: {  	v31 =	vsel vm12, $0x4, v31;
	(erf) = vrcp.f32 v33;
	v33 =	vsel vm7, $0x3, v63  }
0xb6: {  	v24 =	vmul.f32 v28, v24;
	v31 =	vsel vm10, v33, v31;
	v33 =	vsel vm10, $0x4, v33  }
0xb7: {  	v25 =	vmul.f32 v28, v25;
	v31 =	vsel vm14, $0x5, v31;
	v39 =	vsel vm6, $0x5, v33  }
0xb8: {  	s15 =	sshll.u32 s15, $0x5;
	v18 =	vadd.f32 v20, v18;
	v38 =	vsel vm6, v33, v31;
	v40 =	vsel vm1, $0x6, v39  }
0xb9: {  	s15 =	sand.u32 $0xFFFFFF00, s15;
	v16 =	vadd.f32 v22, v16;
	v41 =	vpop (erf);
	v20 =	vsel vm13, $0x6, v38;
	v42 =	vnsel vm0, $0x7, v40  }
0xba: {  	s15 =	sor.u32 s16, s15;
	v45 =	vsub.f32 $1.000000000e+00, v41;
	v20 =	vsel vm1, v39, v20;
	vm10 =	veq.s32 v42, $0x0  }
0xbb: {  	[tilespmem:s15+$0x2000] =	vst v41;
	vm12 =	veq.s32 v42, $0x2;
	vm13 =	veq.s32 v42, $0x3;
	vm14 =	veq.s32 v42, $0x4  }
0xbc: {  	[tilespmem:s15+$0x2080] =	vst v45;
	v20 =	vsel vm11, $0x7, v20;
	v46 =	vsel vm10, $0x3F800000, v2;
	vm11 =	veq.s32 v42, $0x1  }
0xbd: {  	[tilespmem:s15+$0x2800] =	vst v42;
	v50 =	vsel vm12, $0x3F800000, v2;
	v20 =	vsel vm0, v20, v40;
	v12 =	vadd.f32 v46, v12  }
0xbe: {  	vm15 =	veq.s32 v42, $0x5;
	v48 =	vsel vm11, $0x3F800000, v2;
	v8 =	vadd.f32 v50, v8;
	[tilespmem:s15+$0x2880] =	vst v20;
	v43 =	vpop (erf)  }
0xbf: {  	v9 =	vadd.f32 v48, v9;
	[tilespmem:$0x3400] =	vst v12;
	v44 =	vmul.f32 v43, v53;
	v53 =	vsel vm13, $0x3F800000, v2  }
0xc0: {  	[tilespmem:$0x3500] =	vst v8;
	v47 =	vmul.f32 v43, v57;
	v57 =	vsel vm14, $0x3F800000, v2;
	v6 =	vadd.f32 v53, v6  }
0xc1: {  	[tilespmem:$0x3480] =	vst v9;
	v58 =	vmul.f32 v43, v59;
	v59 =	vsel vm15, $0x3F800000, v2;
	v3 =	vadd.f32 v57, v3  }
0xc2: {  	v23 =	vmul.f32 v28, v23;
	v15 =	vadd.f32 v24, v15;
	v4 =	vadd.f32 v59, v4;
	[tilespmem:$0x3580] =	vst v6  }
0xc3: {  	v17 =	vadd.f32 v26, v17;
	v49 =	vmul.f32 v43, v54;
	v16 =	vadd.f32 v44, v16;
	[tilespmem:$0x3600] =	vst v3  }
0xc4: {  	v14 =	vadd.f32 v25, v14;
	v51 =	vmul.f32 v43, v60;
	v15 =	vadd.f32 v47, v15;
	[tilespmem:$0x3680] =	vst v4  }
0xc5: {  	v52 =	vmul.f32 v28, v19;
	v55 =	vmul.f32 v43, v61;
	v18 =	vadd.f32 v49, v18;
	[tilespmem:$0x3000] =	vst v16  }
0xc6: {  	v13 =	vadd.f32 v23, v13;
	v56 =	vmul.f32 v28, v21;
	v54 =	vadd.f32 v51, v17;
	[tilespmem:$0x3080] =	vst v15  }
0xc7: {  	v11 =	vadd.f32 v52, v11;
	v61 =	vmul.f32 v43, v35;
	v14 =	vadd.f32 v55, v14;
	[tilespmem:$0x3100] =	vst v18  }
0xc8: {  	v10 =	vadd.f32 v56, v10;
	v62 =	vmul.f32 v43, v37;
	v60 =	vadd.f32 v58, v13;
	[tilespmem:$0x3180] =	vst v54  }
0xc9: {  	v9 =	vadd.f32 v61, v11;
	[tilespmem:$0x3200] =	vst v14  }
0xca: {  	v63 =	vsel vm0, $0x0, v1;
	vm1 =	vmand vm1, vm0;
	v6 =	vadd.f32 v62, v10;
	[tilespmem:$0x3280] =	vst v60  }
0xcb: {  	v3 =	vsel vm1, $0x3F800000, v2;
	v4 =	vadd.f32 v63, v5;
	[tilespmem:$0x3300] =	vst v9  }
0xcc: {  	v3 =	vadd.f32 v3, v7;
	[tilespmem:$0x3380] =	vst v6  }
0xcd: {  	[tilespmem:$0x3780] =	vst v4  }
0xce: {  	[tilespmem:$0x3700] =	vst v3  }
0xcf: {  	[hbm4b:s4+s2] =	stream.linear.scatter [tilespmem:s10], [sflag:$0x1], $0x800, $0x38;
	[tilespmem:$0x3800] =	vst v63  }
0xd0: {  	_ =	swait.ge [sflag:s9], $0x800  }
0xd1: {  	[sflag:s9] =	ssyncset.done $0x0  }
0xd2: {  	[sflag:s9] =	ssyncadd.s32 $0xFFFFF800  }
0xd3: {  	[hbm4b:s5+s2] =	stream.linear.scatter [tilespmem:s11], [sflag:$0x1], $0x800, $0x38;
	[tilespmem:$0x3800] =	vst v63  }
0xd4: {  	_ =	swait.ge [sflag:s9], $0x800  }
0xd5: {  	[sflag:s9] =	ssyncset.done $0x0  }
0xd6: {  	[sflag:s9] =	ssyncadd.s32 $0xFFFFF800  }
0xd7: {  	[hbm4b:s6+s2] =	stream.linear.scatter [tilespmem:s12], [sflag:$0x1], $0x400, $0x38;
	[tilespmem:$0x3800] =	vst v63  }
0xd8: {  	s14 =	sadd.s32 $0x1, s14;
	_ =	swait.ge [sflag:s9], $0x400  }
0xd9: {  	p0 =	sne.s32 s14, s8;
	[sflag:s9] =	ssyncset.done $0x0  }
.Ltmp1:
0xda: {  	[sflag:s9] =	ssyncadd.s32 $0xFFFFFC00;
	(pc) =	sbr.rel @p0 .LBB2_1-.Ltmp1, $4  }
0xdb: {  	[hbm4b:s7+s2] =	stream.linear.scatter [tilespmem:s13], [sflag:$0x1], $0x400, $0x38;
	[tilespmem:$0x3800] =	vst v63  }
0xdc: {  	_ =	swait.ge [sflag:s9], $0x400  }
0xdd: {  	[sflag:s9] =	ssyncset.done $0x0  }
0xde: {  	[sflag:s9] =	ssyncadd.s32 $0xFFFFFC00  }
0xdf: {  	_ =	sfence.sel $0x180000  }
0xe0: {  	[bflag:$0x0] =	sbarrier.arrive $0xFFFF  }
0xe1: {  	p0 =	sne.s32 s1, $0x0;
	_ =	strace $0x90000047  }
0xe2: {  	s0 =	sadd.s32 @!p0 $0x100000, s0;
	[bflag:$0x2] =	sbarrier.arrive $0xFFFF  }
0xe3: {  	[sflag:s0] =	ssyncadd.tile.s32 @!p0 $0x1;
	_ =	shalt  }
.Lfunc_end2:
_tile_overlayer_lowered:
.L_overlay_start_2:
0xe4: {  	(tag) =	ssettag $0x2  }
0xe5: {  	s0 =	rddreg [dreg:$0x0];
	s2 =	stileid.u32  }
0xe6: {  	s1 =	rddreg [dreg:$0x1];
	p0 =	sne.s32 s2, $0x0  }
0xe7: {  	s3 =	rddreg [dreg:$0x2];
	[bflag:$0x3] =	sbarrier.arrive $0xFFFF;
	s2 =	simm.s32 @!p0 $0x1C01  }
0xe8: {  	[timem:s3], [sflag:s2] =	dma.local @!p0 [hbm:s0], s1  }
0xe9: {  	s0 =	simm.s32 @!p0 $0x1  }
0xea: {  	_ =	swait.ge @!p0 [sflag:s0], s1  }
0xeb: {  	s1 =	ssub.s32 @!p0 $0x0, s1;
	[sflag:s0] =	ssyncset.done @!p0 $0x0  }
0xec: {  	[sflag:s0] =	ssyncadd.s32 @!p0 s1  }
0xed: {  	[bflag:$0x3] =	sbarrier.arrive $0xFFFF  }
0xee: {  	_ =	shalt  }

</sc_bundles>
